<compile_context>
chip_gen: v7x
topology: tpu7x:2x2x1
jax: 0.10.2.dev20260603
libtpu: 0.0.44.dev20260713+nightly
codegen_flags: <defaults>
</compile_context>

<pallas_src>
import functools

import jax
import jax.numpy as jnp
from jax import lax
from jax.experimental import pallas as pl
from jax.experimental.pallas import tpu as pltpu
from jax.experimental.pallas import tpu_sc as plsc

NT = 50
NB = 16384
NUM_ROWS = NT * NB
DIM = 32
NC, NS = 2, 16
NW = NC * NS
B_PER_W = NUM_ROWS // NW
CH = 128
N_CHUNKS = B_PER_W // CH
K = 10
GROUP = K * CH
N_GROUPS = N_CHUNKS // K

assert NW * B_PER_W == NUM_ROWS and CH * N_CHUNKS == B_PER_W
assert K * N_GROUPS == N_CHUNKS and N_GROUPS % 2 == 0

_mesh = plsc.VectorSubcoreMesh(
    core_axis_name="c", subcore_axis_name="s", num_cores=NC, num_subcores=NS
)


@functools.partial(
    pl.kernel,
    out_type=jax.ShapeDtypeStruct((NUM_ROWS, DIM), jnp.float32),
    mesh=_mesh,
    compiler_params=pltpu.CompilerParams(use_tc_tiling_on_sc=False),
    scratch_types=[
        pltpu.VMEM((N_CHUNKS, CH), jnp.int32),
        pltpu.VMEM((GROUP, DIM), jnp.float32),
        pltpu.VMEM((GROUP, DIM), jnp.float32),
        pltpu.SemaphoreType.DMA,
        pltpu.SemaphoreType.DMA,
        pltpu.SemaphoreType.DMA,
        pltpu.SemaphoreType.DMA,
    ],
)
def _sc_gather(w_hbm, idx_hbm, out_hbm, idx_v, rows0, rows1, gs0, gs1, os0, os1):
    wid = lax.axis_index("s") * NC + lax.axis_index("c")
    base = wid * B_PER_W
    pltpu.sync_copy(idx_hbm.at[wid], idx_v)

    def fire(g, rows_v, sem):
        for j in range(K):
            pltpu.async_copy(
                w_hbm.at[idx_v.at[g * K + j]], rows_v.at[pl.ds(j * CH, CH)], sem
            )

    def wait_gathers(rows_v, sem):
        for j in range(K):
            pltpu.make_async_copy(
                w_hbm.at[idx_v.at[j]], rows_v.at[pl.ds(j * CH, CH)], sem
            ).wait()

    def start_out(g, rows_v, sem):
        pltpu.async_copy(rows_v, out_hbm.at[pl.ds(base + g * GROUP, GROUP)], sem)

    def wait_out(rows_v, sem):
        pltpu.make_async_copy(rows_v, out_hbm.at[pl.ds(base, GROUP)], sem).wait()

    fire(0, rows0, gs0)

    @pl.loop(0, N_GROUPS, step=2)
    def _pair(g):
        @pl.when(g > 0)
        def _():
            wait_out(rows1, os1)
        fire(g + 1, rows1, gs1)
        wait_gathers(rows0, gs0)
        start_out(g, rows0, os0)

        @pl.when(g + 2 < N_GROUPS)
        def _():
            wait_out(rows0, os0)
            fire(g + 2, rows0, gs0)
        wait_gathers(rows1, gs1)
        start_out(g + 1, rows1, os1)

    wait_out(rows0, os0)
    wait_out(rows1, os1)


def kernel(ids, weight):
    idx = ids.T.astype(jnp.int32).reshape(NW, N_CHUNKS, CH)
    out = _sc_gather(weight, idx)
    return out.reshape(NT, NB, DIM).transpose(1, 0, 2)

# --- scband reference (transcript-rebuilt; emitter-appended) ---
"""Pipeline reference for scband-embedding-171798691939 (READ-ONLY COPY).

The authoritative reference and input builder live on the scoring server;
editing this copy changes nothing except your own understanding.
"""

import jax, jax.numpy as jnp
import numpy as np

NUM_EMBEDDINGS = 1000000
EMBEDDING_DIM = 32

def setup_inputs(seed: int = 0) -> dict:
    key = jax.random.key(seed)
    k_ids, k_w = jax.random.split(key)
    ids = jax.random.randint(k_ids, (16384, 50), 0, NUM_EMBEDDINGS, dtype=jnp.int64 if jax.config.jax_enable_x64 else jnp.int32)
    weight = 0.02 * jax.random.normal(k_w, (NUM_EMBEDDINGS, EMBEDDING_DIM), dtype=jnp.float32)
    return {"ids": ids, "weight": weight}

def reference(ids, weight):
    # Faithful translation of Embedding.__call__: gather rows of the table.
    return jnp.take(weight, ids, axis=0)

if __name__ == "__main__":
    import jax
    _d = setup_inputs()
    print(jax.jit(kernel)(*tuple(_d.values())))

</pallas_src>

<mosaic_0001>
#map = affine_map<(d0, d1) -> (0, 0)>
#map1 = affine_map<(d0, d1) -> (0, 0, 0)>
module attributes {stable_mosaic.version = 14 : i64} {
  func.func @_sc_gather(%arg0: i32, %arg1: i32, %arg2: memref<1000000x32xf32, #tpu.memory_space<hbm>>, %arg3: memref<32x200x128xi32, #tpu.memory_space<hbm>>, %arg4: memref<819200x32xf32, #tpu.memory_space<hbm>>, %arg5: memref<200x128xi32, #tpu.memory_space<vmem>>, %arg6: memref<1280x32xf32, #tpu.memory_space<vmem>>, %arg7: memref<1280x32xf32, #tpu.memory_space<vmem>>, %arg8: memref<!tpu.dma_semaphore, #tpu.memory_space<semaphore_mem>>, %arg9: memref<!tpu.dma_semaphore, #tpu.memory_space<semaphore_mem>>, %arg10: memref<!tpu.dma_semaphore, #tpu.memory_space<semaphore_mem>>, %arg11: memref<!tpu.dma_semaphore, #tpu.memory_space<semaphore_mem>>) attributes {dimension_semantics = [#tpu.dimension_semantics<core_parallel>, #tpu.dimension_semantics<subcore_parallel>], iteration_bounds = array<i64: 2, 16>, scalar_prefetch = 0 : i64, scratch_operands = 7 : i64, tpu.core_type = #tpu.core_type<sc_vector_subcore>, window_params = [{transform_indices = #map}, {transform_indices = #map1}, {transform_indices = #map}]} {
    %mul3A = arith.constant 2 : i32
    %mul3A_0 = arith.muli %arg1, %mul3A : i32
    %add3A = arith.addi %mul3A_0, %arg0 : i32
    %mul3A_1 = arith.constant 25600 : i32
    %mul3A_2 = arith.muli %add3A, %mul3A_1 : i32
    "tpu.region"() ({
      %run_scoped3A = tpu.sem_alloc : memref<!tpu.dma_semaphore, #tpu.memory_space<semaphore_mem>>
      %dma_start3A_113 = arith.constant 0 : i32
      %dma_start3A_114 = arith.constant 0 : i32
      %dma_start3A_115 = tpu.memref_slice %arg3[%add3A, %dma_start3A_113, %dma_start3A_114] : memref<32x200x128xi32, #tpu.memory_space<hbm>> -> memref<1x200x128xi32, #tpu.memory_space<hbm>>
      %dma_start3A_116 = tpu.memref_squeeze %dma_start3A_115 : memref<1x200x128xi32, #tpu.memory_space<hbm>> -> memref<200x128xi32, #tpu.memory_space<hbm>>
      %dma_start3A_117 = arith.constant 0 : i32
      %dma_start3A_118 = arith.constant 0 : i32
      %dma_start3A_119 = tpu.memref_slice %arg3[%add3A, %dma_start3A_117, %dma_start3A_118] : memref<32x200x128xi32, #tpu.memory_space<hbm>> -> memref<1x200x128xi32, #tpu.memory_space<hbm>>
      %dma_start3A_120 = tpu.memref_squeeze %dma_start3A_119 : memref<1x200x128xi32, #tpu.memory_space<hbm>> -> memref<200x128xi32, #tpu.memory_space<hbm>>
      tpu.enqueue_dma source(%dma_start3A_120 : memref<200x128xi32, #tpu.memory_space<hbm>>) target(%arg5 : memref<200x128xi32, #tpu.memory_space<vmem>>) target_semaphore(%run_scoped3A : memref<!tpu.dma_semaphore, #tpu.memory_space<semaphore_mem>>)
      %dma_wait3A_121 = arith.constant 0 : i32
      %dma_wait3A_122 = arith.constant 0 : i32
      %dma_wait3A_123 = tpu.memref_slice %arg3[%add3A, %dma_wait3A_121, %dma_wait3A_122] : memref<32x200x128xi32, #tpu.memory_space<hbm>> -> memref<1x200x128xi32, #tpu.memory_space<hbm>>
      %dma_wait3A_124 = tpu.memref_squeeze %dma_wait3A_123 : memref<1x200x128xi32, #tpu.memory_space<hbm>> -> memref<200x128xi32, #tpu.memory_space<hbm>>
      %dma_wait3A_125 = arith.constant 0 : i32
      %dma_wait3A_126 = arith.constant 0 : i32
      %dma_wait3A_127 = tpu.memref_slice %arg3[%add3A, %dma_wait3A_125, %dma_wait3A_126] : memref<32x200x128xi32, #tpu.memory_space<hbm>> -> memref<1x200x128xi32, #tpu.memory_space<hbm>>
      %dma_wait3A_128 = tpu.memref_squeeze %dma_wait3A_127 : memref<1x200x128xi32, #tpu.memory_space<hbm>> -> memref<200x128xi32, #tpu.memory_space<hbm>>
      tpu.wait_dma2 semaphore(%run_scoped3A : memref<!tpu.dma_semaphore, #tpu.memory_space<semaphore_mem>>) src(%dma_wait3A_128 : memref<200x128xi32, #tpu.memory_space<hbm>>) dst(%arg5 : memref<200x128xi32, #tpu.memory_space<vmem>>)
      tpu.yield
    }) : () -> ()
    %dma_start3A = arith.constant 0 : i32
    %dma_start3A_3 = arith.constant 0 : i32
    %dma_start3A_4 = arith.constant 0 : i32
    %dma_start3A_5 = tpu.memref_slice %arg6[%dma_start3A_3, %dma_start3A_4] : memref<1280x32xf32, #tpu.memory_space<vmem>> -> memref<128x32xf32, #tpu.memory_space<vmem>>
    %dma_start3A_6 = arith.constant 0 : i32
    %dma_start3A_7 = tpu.memref_slice %arg5[%dma_start3A, %dma_start3A_6] : memref<200x128xi32, #tpu.memory_space<vmem>> -> memref<1x128xi32, #tpu.memory_space<vmem>>
    %dma_start3A_8 = tpu.memref_squeeze %dma_start3A_7 : memref<1x128xi32, #tpu.memory_space<vmem>> -> memref<128xi32, #tpu.memory_space<vmem>>
    %dma_start3A_9 = arith.constant 0 : i32
    %dma_start3A_10 = arith.constant 0 : i32
    %dma_start3A_11 = tpu.memref_slice %arg2[%dma_start3A_9, %dma_start3A_10] : memref<1000000x32xf32, #tpu.memory_space<hbm>> -> memref<1000000x32xf32, #tpu.memory_space<hbm>>
    tpu.enqueue_indirect_dma source(%dma_start3A_11 : memref<1000000x32xf32, #tpu.memory_space<hbm>>) target(%dma_start3A_5 : memref<128x32xf32, #tpu.memory_space<vmem>>) offsets(%dma_start3A_8 : memref<128xi32, #tpu.memory_space<vmem>>) semaphore(%arg8 : memref<!tpu.dma_semaphore, #tpu.memory_space<semaphore_mem>>)
    %dma_start3A_12 = arith.constant 1 : i32
    %dma_start3A_13 = arith.constant 128 : i32
    %dma_start3A_14 = arith.constant 0 : i32
    %dma_start3A_15 = tpu.memref_slice %arg6[%dma_start3A_13, %dma_start3A_14] : memref<1280x32xf32, #tpu.memory_space<vmem>> -> memref<128x32xf32, #tpu.memory_space<vmem>>
    %dma_start3A_16 = arith.constant 0 : i32
    %dma_start3A_17 = tpu.memref_slice %arg5[%dma_start3A_12, %dma_start3A_16] : memref<200x128xi32, #tpu.memory_space<vmem>> -> memref<1x128xi32, #tpu.memory_space<vmem>>
    %dma_start3A_18 = tpu.memref_squeeze %dma_start3A_17 : memref<1x128xi32, #tpu.memory_space<vmem>> -> memref<128xi32, #tpu.memory_space<vmem>>
    %dma_start3A_19 = arith.constant 0 : i32
    %dma_start3A_20 = arith.constant 0 : i32
    %dma_start3A_21 = tpu.memref_slice %arg2[%dma_start3A_19, %dma_start3A_20] : memref<1000000x32xf32, #tpu.memory_space<hbm>> -> memref<1000000x32xf32, #tpu.memory_space<hbm>>
    tpu.enqueue_indirect_dma source(%dma_start3A_21 : memref<1000000x32xf32, #tpu.memory_space<hbm>>) target(%dma_start3A_15 : memref<128x32xf32, #tpu.memory_space<vmem>>) offsets(%dma_start3A_18 : memref<128xi32, #tpu.memory_space<vmem>>) semaphore(%arg8 : memref<!tpu.dma_semaphore, #tpu.memory_space<semaphore_mem>>)
    %dma_start3A_22 = arith.constant 2 : i32
    %dma_start3A_23 = arith.constant 256 : i32
    %dma_start3A_24 = arith.constant 0 : i32
    %dma_start3A_25 = tpu.memref_slice %arg6[%dma_start3A_23, %dma_start3A_24] : memref<1280x32xf32, #tpu.memory_space<vmem>> -> memref<128x32xf32, #tpu.memory_space<vmem>>
    %dma_start3A_26 = arith.constant 0 : i32
    %dma_start3A_27 = tpu.memref_slice %arg5[%dma_start3A_22, %dma_start3A_26] : memref<200x128xi32, #tpu.memory_space<vmem>> -> memref<1x128xi32, #tpu.memory_space<vmem>>
    %dma_start3A_28 = tpu.memref_squeeze %dma_start3A_27 : memref<1x128xi32, #tpu.memory_space<vmem>> -> memref<128xi32, #tpu.memory_space<vmem>>
    %dma_start3A_29 = arith.constant 0 : i32
    %dma_start3A_30 = arith.constant 0 : i32
    %dma_start3A_31 = tpu.memref_slice %arg2[%dma_start3A_29, %dma_start3A_30] : memref<1000000x32xf32, #tpu.memory_space<hbm>> -> memref<1000000x32xf32, #tpu.memory_space<hbm>>
    tpu.enqueue_indirect_dma source(%dma_start3A_31 : memref<1000000x32xf32, #tpu.memory_space<hbm>>) target(%dma_start3A_25 : memref<128x32xf32, #tpu.memory_space<vmem>>) offsets(%dma_start3A_28 : memref<128xi32, #tpu.memory_space<vmem>>) semaphore(%arg8 : memref<!tpu.dma_semaphore, #tpu.memory_space<semaphore_mem>>)
    %dma_start3A_32 = arith.constant 3 : i32
    %dma_start3A_33 = arith.constant 384 : i32
    %dma_start3A_34 = arith.constant 0 : i32
    %dma_start3A_35 = tpu.memref_slice %arg6[%dma_start3A_33, %dma_start3A_34] : memref<1280x32xf32, #tpu.memory_space<vmem>> -> memref<128x32xf32, #tpu.memory_space<vmem>>
    %dma_start3A_36 = arith.constant 0 : i32
    %dma_start3A_37 = tpu.memref_slice %arg5[%dma_start3A_32, %dma_start3A_36] : memref<200x128xi32, #tpu.memory_space<vmem>> -> memref<1x128xi32, #tpu.memory_space<vmem>>
    %dma_start3A_38 = tpu.memref_squeeze %dma_start3A_37 : memref<1x128xi32, #tpu.memory_space<vmem>> -> memref<128xi32, #tpu.memory_space<vmem>>
    %dma_start3A_39 = arith.constant 0 : i32
    %dma_start3A_40 = arith.constant 0 : i32
    %dma_start3A_41 = tpu.memref_slice %arg2[%dma_start3A_39, %dma_start3A_40] : memref<1000000x32xf32, #tpu.memory_space<hbm>> -> memref<1000000x32xf32, #tpu.memory_space<hbm>>
    tpu.enqueue_indirect_dma source(%dma_start3A_41 : memref<1000000x32xf32, #tpu.memory_space<hbm>>) target(%dma_start3A_35 : memref<128x32xf32, #tpu.memory_space<vmem>>) offsets(%dma_start3A_38 : memref<128xi32, #tpu.memory_space<vmem>>) semaphore(%arg8 : memref<!tpu.dma_semaphore, #tpu.memory_space<semaphore_mem>>)
    %dma_start3A_42 = arith.constant 4 : i32
    %dma_start3A_43 = arith.constant 512 : i32
    %dma_start3A_44 = arith.constant 0 : i32
    %dma_start3A_45 = tpu.memref_slice %arg6[%dma_start3A_43, %dma_start3A_44] : memref<1280x32xf32, #tpu.memory_space<vmem>> -> memref<128x32xf32, #tpu.memory_space<vmem>>
    %dma_start3A_46 = arith.constant 0 : i32
    %dma_start3A_47 = tpu.memref_slice %arg5[%dma_start3A_42, %dma_start3A_46] : memref<200x128xi32, #tpu.memory_space<vmem>> -> memref<1x128xi32, #tpu.memory_space<vmem>>
    %dma_start3A_48 = tpu.memref_squeeze %dma_start3A_47 : memref<1x128xi32, #tpu.memory_space<vmem>> -> memref<128xi32, #tpu.memory_space<vmem>>
    %dma_start3A_49 = arith.constant 0 : i32
    %dma_start3A_50 = arith.constant 0 : i32
    %dma_start3A_51 = tpu.memref_slice %arg2[%dma_start3A_49, %dma_start3A_50] : memref<1000000x32xf32, #tpu.memory_space<hbm>> -> memref<1000000x32xf32, #tpu.memory_space<hbm>>
    tpu.enqueue_indirect_dma source(%dma_start3A_51 : memref<1000000x32xf32, #tpu.memory_space<hbm>>) target(%dma_start3A_45 : memref<128x32xf32, #tpu.memory_space<vmem>>) offsets(%dma_start3A_48 : memref<128xi32, #tpu.memory_space<vmem>>) semaphore(%arg8 : memref<!tpu.dma_semaphore, #tpu.memory_space<semaphore_mem>>)
    %dma_start3A_52 = arith.constant 5 : i32
    %dma_start3A_53 = arith.constant 640 : i32
    %dma_start3A_54 = arith.constant 0 : i32
    %dma_start3A_55 = tpu.memref_slice %arg6[%dma_start3A_53, %dma_start3A_54] : memref<1280x32xf32, #tpu.memory_space<vmem>> -> memref<128x32xf32, #tpu.memory_space<vmem>>
    %dma_start3A_56 = arith.constant 0 : i32
    %dma_start3A_57 = tpu.memref_slice %arg5[%dma_start3A_52, %dma_start3A_56] : memref<200x128xi32, #tpu.memory_space<vmem>> -> memref<1x128xi32, #tpu.memory_space<vmem>>
    %dma_start3A_58 = tpu.memref_squeeze %dma_start3A_57 : memref<1x128xi32, #tpu.memory_space<vmem>> -> memref<128xi32, #tpu.memory_space<vmem>>
    %dma_start3A_59 = arith.constant 0 : i32
    %dma_start3A_60 = arith.constant 0 : i32
    %dma_start3A_61 = tpu.memref_slice %arg2[%dma_start3A_59, %dma_start3A_60] : memref<1000000x32xf32, #tpu.memory_space<hbm>> -> memref<1000000x32xf32, #tpu.memory_space<hbm>>
    tpu.enqueue_indirect_dma source(%dma_start3A_61 : memref<1000000x32xf32, #tpu.memory_space<hbm>>) target(%dma_start3A_55 : memref<128x32xf32, #tpu.memory_space<vmem>>) offsets(%dma_start3A_58 : memref<128xi32, #tpu.memory_space<vmem>>) semaphore(%arg8 : memref<!tpu.dma_semaphore, #tpu.memory_space<semaphore_mem>>)
    %dma_start3A_62 = arith.constant 6 : i32
    %dma_start3A_63 = arith.constant 768 : i32
    %dma_start3A_64 = arith.constant 0 : i32
    %dma_start3A_65 = tpu.memref_slice %arg6[%dma_start3A_63, %dma_start3A_64] : memref<1280x32xf32, #tpu.memory_space<vmem>> -> memref<128x32xf32, #tpu.memory_space<vmem>>
    %dma_start3A_66 = arith.constant 0 : i32
    %dma_start3A_67 = tpu.memref_slice %arg5[%dma_start3A_62, %dma_start3A_66] : memref<200x128xi32, #tpu.memory_space<vmem>> -> memref<1x128xi32, #tpu.memory_space<vmem>>
    %dma_start3A_68 = tpu.memref_squeeze %dma_start3A_67 : memref<1x128xi32, #tpu.memory_space<vmem>> -> memref<128xi32, #tpu.memory_space<vmem>>
    %dma_start3A_69 = arith.constant 0 : i32
    %dma_start3A_70 = arith.constant 0 : i32
    %dma_start3A_71 = tpu.memref_slice %arg2[%dma_start3A_69, %dma_start3A_70] : memref<1000000x32xf32, #tpu.memory_space<hbm>> -> memref<1000000x32xf32, #tpu.memory_space<hbm>>
    tpu.enqueue_indirect_dma source(%dma_start3A_71 : memref<1000000x32xf32, #tpu.memory_space<hbm>>) target(%dma_start3A_65 : memref<128x32xf32, #tpu.memory_space<vmem>>) offsets(%dma_start3A_68 : memref<128xi32, #tpu.memory_space<vmem>>) semaphore(%arg8 : memref<!tpu.dma_semaphore, #tpu.memory_space<semaphore_mem>>)
    %dma_start3A_72 = arith.constant 7 : i32
    %dma_start3A_73 = arith.constant 896 : i32
    %dma_start3A_74 = arith.constant 0 : i32
    %dma_start3A_75 = tpu.memref_slice %arg6[%dma_start3A_73, %dma_start3A_74] : memref<1280x32xf32, #tpu.memory_space<vmem>> -> memref<128x32xf32, #tpu.memory_space<vmem>>
    %dma_start3A_76 = arith.constant 0 : i32
    %dma_start3A_77 = tpu.memref_slice %arg5[%dma_start3A_72, %dma_start3A_76] : memref<200x128xi32, #tpu.memory_space<vmem>> -> memref<1x128xi32, #tpu.memory_space<vmem>>
    %dma_start3A_78 = tpu.memref_squeeze %dma_start3A_77 : memref<1x128xi32, #tpu.memory_space<vmem>> -> memref<128xi32, #tpu.memory_space<vmem>>
    %dma_start3A_79 = arith.constant 0 : i32
    %dma_start3A_80 = arith.constant 0 : i32
    %dma_start3A_81 = tpu.memref_slice %arg2[%dma_start3A_79, %dma_start3A_80] : memref<1000000x32xf32, #tpu.memory_space<hbm>> -> memref<1000000x32xf32, #tpu.memory_space<hbm>>
    tpu.enqueue_indirect_dma source(%dma_start3A_81 : memref<1000000x32xf32, #tpu.memory_space<hbm>>) target(%dma_start3A_75 : memref<128x32xf32, #tpu.memory_space<vmem>>) offsets(%dma_start3A_78 : memref<128xi32, #tpu.memory_space<vmem>>) semaphore(%arg8 : memref<!tpu.dma_semaphore, #tpu.memory_space<semaphore_mem>>)
    %dma_start3A_82 = arith.constant 8 : i32
    %dma_start3A_83 = arith.constant 1024 : i32
    %dma_start3A_84 = arith.constant 0 : i32
    %dma_start3A_85 = tpu.memref_slice %arg6[%dma_start3A_83, %dma_start3A_84] : memref<1280x32xf32, #tpu.memory_space<vmem>> -> memref<128x32xf32, #tpu.memory_space<vmem>>
    %dma_start3A_86 = arith.constant 0 : i32
    %dma_start3A_87 = tpu.memref_slice %arg5[%dma_start3A_82, %dma_start3A_86] : memref<200x128xi32, #tpu.memory_space<vmem>> -> memref<1x128xi32, #tpu.memory_space<vmem>>
    %dma_start3A_88 = tpu.memref_squeeze %dma_start3A_87 : memref<1x128xi32, #tpu.memory_space<vmem>> -> memref<128xi32, #tpu.memory_space<vmem>>
    %dma_start3A_89 = arith.constant 0 : i32
    %dma_start3A_90 = arith.constant 0 : i32
    %dma_start3A_91 = tpu.memref_slice %arg2[%dma_start3A_89, %dma_start3A_90] : memref<1000000x32xf32, #tpu.memory_space<hbm>> -> memref<1000000x32xf32, #tpu.memory_space<hbm>>
    tpu.enqueue_indirect_dma source(%dma_start3A_91 : memref<1000000x32xf32, #tpu.memory_space<hbm>>) target(%dma_start3A_85 : memref<128x32xf32, #tpu.memory_space<vmem>>) offsets(%dma_start3A_88 : memref<128xi32, #tpu.memory_space<vmem>>) semaphore(%arg8 : memref<!tpu.dma_semaphore, #tpu.memory_space<semaphore_mem>>)
    %dma_start3A_92 = arith.constant 9 : i32
    %dma_start3A_93 = arith.constant 1152 : i32
    %dma_start3A_94 = arith.constant 0 : i32
    %dma_start3A_95 = tpu.memref_slice %arg6[%dma_start3A_93, %dma_start3A_94] : memref<1280x32xf32, #tpu.memory_space<vmem>> -> memref<128x32xf32, #tpu.memory_space<vmem>>
    %dma_start3A_96 = arith.constant 0 : i32
    %dma_start3A_97 = tpu.memref_slice %arg5[%dma_start3A_92, %dma_start3A_96] : memref<200x128xi32, #tpu.memory_space<vmem>> -> memref<1x128xi32, #tpu.memory_space<vmem>>
    %dma_start3A_98 = tpu.memref_squeeze %dma_start3A_97 : memref<1x128xi32, #tpu.memory_space<vmem>> -> memref<128xi32, #tpu.memory_space<vmem>>
    %dma_start3A_99 = arith.constant 0 : i32
    %dma_start3A_100 = arith.constant 0 : i32
    %dma_start3A_101 = tpu.memref_slice %arg2[%dma_start3A_99, %dma_start3A_100] : memref<1000000x32xf32, #tpu.memory_space<hbm>> -> memref<1000000x32xf32, #tpu.memory_space<hbm>>
    tpu.enqueue_indirect_dma source(%dma_start3A_101 : memref<1000000x32xf32, #tpu.memory_space<hbm>>) target(%dma_start3A_95 : memref<128x32xf32, #tpu.memory_space<vmem>>) offsets(%dma_start3A_98 : memref<128xi32, #tpu.memory_space<vmem>>) semaphore(%arg8 : memref<!tpu.dma_semaphore, #tpu.memory_space<semaphore_mem>>)
    %scan3A = arith.constant 0 : i32
    %scan3A_102 = arith.constant 10 : i32
    %scan3A_103 = arith.addi %scan3A, %scan3A_102 : i32
    %scan3A_104 = arith.constant 1 : i32
    scf.for %scan3A_113 = %scan3A to %scan3A_103 step %scan3A_104  : i32 {
      %mul3A_114 = arith.constant 2 : i32
      %mul3A_115 = arith.muli %scan3A_113, %mul3A_114 : i32
      %add3A_116 = arith.constant 0 : i32
      %add3A_117 = arith.addi %add3A_116, %mul3A_115 : i32
      %gt3A = arith.constant 0 : i32
      %gt3A_118 = arith.cmpi sgt, %add3A_117, %gt3A : i32
      %convert_element_type3A = arith.extui %gt3A_118 : i1 to i32
      %cond3A = arith.constant 0 : i32
      %cond3A_119 = arith.cmpi ne, %convert_element_type3A, %cond3A : i32
      scf.if %cond3A_119 {
        %dma_wait3A_474 = arith.constant 0 : i32
        %dma_wait3A_475 = tpu.memref_slice %arg4[%mul3A_2, %dma_wait3A_474] : memref<819200x32xf32, #tpu.memory_space<hbm>> -> memref<1280x32xf32, #tpu.memory_space<hbm>>
        %dma_wait3A_476 = arith.constant 0 : i32
        %dma_wait3A_477 = tpu.memref_slice %arg4[%mul3A_2, %dma_wait3A_476] : memref<819200x32xf32, #tpu.memory_space<hbm>> -> memref<1280x32xf32, #tpu.memory_space<hbm>>
        tpu.wait_dma2 semaphore(%arg11 : memref<!tpu.dma_semaphore, #tpu.memory_space<semaphore_mem>>) src(%arg7 : memref<1280x32xf32, #tpu.memory_space<vmem>>) dst(%dma_wait3A_477 : memref<1280x32xf32, #tpu.memory_space<hbm>>)
      } else {
      }
      %add3A_120 = arith.constant 1 : i32
      %add3A_121 = arith.addi %add3A_117, %add3A_120 : i32
      %mul3A_122 = arith.constant 10 : i32
      %mul3A_123 = arith.muli %add3A_121, %mul3A_122 : i32
      %add3A_124 = arith.constant 0 : i32
      %add3A_125 = arith.addi %mul3A_123, %add3A_124 : i32
      %dma_start3A_126 = arith.constant 0 : i32
      %dma_start3A_127 = arith.constant 0 : i32
      %dma_start3A_128 = tpu.memref_slice %arg7[%dma_start3A_126, %dma_start3A_127] : memref<1280x32xf32, #tpu.memory_space<vmem>> -> memref<128x32xf32, #tpu.memory_space<vmem>>
      %dma_start3A_129 = arith.constant 0 : i32
      %dma_start3A_130 = tpu.memref_slice %arg5[%add3A_125, %dma_start3A_129] : memref<200x128xi32, #tpu.memory_space<vmem>> -> memref<1x128xi32, #tpu.memory_space<vmem>>
      %dma_start3A_131 = tpu.memref_squeeze %dma_start3A_130 : memref<1x128xi32, #tpu.memory_space<vmem>> -> memref<128xi32, #tpu.memory_space<vmem>>
      %dma_start3A_132 = arith.constant 0 : i32
      %dma_start3A_133 = arith.constant 0 : i32
      %dma_start3A_134 = tpu.memref_slice %arg2[%dma_start3A_132, %dma_start3A_133] : memref<1000000x32xf32, #tpu.memory_space<hbm>> -> memref<1000000x32xf32, #tpu.memory_space<hbm>>
      tpu.enqueue_indirect_dma source(%dma_start3A_134 : memref<1000000x32xf32, #tpu.memory_space<hbm>>) target(%dma_start3A_128 : memref<128x32xf32, #tpu.memory_space<vmem>>) offsets(%dma_start3A_131 : memref<128xi32, #tpu.memory_space<vmem>>) semaphore(%arg9 : memref<!tpu.dma_semaphore, #tpu.memory_space<semaphore_mem>>)
      %mul3A_135 = arith.constant 10 : i32
      %mul3A_136 = arith.muli %add3A_121, %mul3A_135 : i32
      %add3A_137 = arith.constant 1 : i32
      %add3A_138 = arith.addi %mul3A_136, %add3A_137 : i32
      %dma_start3A_139 = arith.constant 128 : i32
      %dma_start3A_140 = arith.constant 0 : i32
      %dma_start3A_141 = tpu.memref_slice %arg7[%dma_start3A_139, %dma_start3A_140] : memref<1280x32xf32, #tpu.memory_space<vmem>> -> memref<128x32xf32, #tpu.memory_space<vmem>>
      %dma_start3A_142 = arith.constant 0 : i32
      %dma_start3A_143 = tpu.memref_slice %arg5[%add3A_138, %dma_start3A_142] : memref<200x128xi32, #tpu.memory_space<vmem>> -> memref<1x128xi32, #tpu.memory_space<vmem>>
      %dma_start3A_144 = tpu.memref_squeeze %dma_start3A_143 : memref<1x128xi32, #tpu.memory_space<vmem>> -> memref<128xi32, #tpu.memory_space<vmem>>
      %dma_start3A_145 = arith.constant 0 : i32
      %dma_start3A_146 = arith.constant 0 : i32
      %dma_start3A_147 = tpu.memref_slice %arg2[%dma_start3A_145, %dma_start3A_146] : memref<1000000x32xf32, #tpu.memory_space<hbm>> -> memref<1000000x32xf32, #tpu.memory_space<hbm>>
      tpu.enqueue_indirect_dma source(%dma_start3A_147 : memref<1000000x32xf32, #tpu.memory_space<hbm>>) target(%dma_start3A_141 : memref<128x32xf32, #tpu.memory_space<vmem>>) offsets(%dma_start3A_144 : memref<128xi32, #tpu.memory_space<vmem>>) semaphore(%arg9 : memref<!tpu.dma_semaphore, #tpu.memory_space<semaphore_mem>>)
      %mul3A_148 = arith.constant 10 : i32
      %mul3A_149 = arith.muli %add3A_121, %mul3A_148 : i32
      %add3A_150 = arith.constant 2 : i32
      %add3A_151 = arith.addi %mul3A_149, %add3A_150 : i32
      %dma_start3A_152 = arith.constant 256 : i32
      %dma_start3A_153 = arith.constant 0 : i32
      %dma_start3A_154 = tpu.memref_slice %arg7[%dma_start3A_152, %dma_start3A_153] : memref<1280x32xf32, #tpu.memory_space<vmem>> -> memref<128x32xf32, #tpu.memory_space<vmem>>
      %dma_start3A_155 = arith.constant 0 : i32
      %dma_start3A_156 = tpu.memref_slice %arg5[%add3A_151, %dma_start3A_155] : memref<200x128xi32, #tpu.memory_space<vmem>> -> memref<1x128xi32, #tpu.memory_space<vmem>>
      %dma_start3A_157 = tpu.memref_squeeze %dma_start3A_156 : memref<1x128xi32, #tpu.memory_space<vmem>> -> memref<128xi32, #tpu.memory_space<vmem>>
      %dma_start3A_158 = arith.constant 0 : i32
      %dma_start3A_159 = arith.constant 0 : i32
      %dma_start3A_160 = tpu.memref_slice %arg2[%dma_start3A_158, %dma_start3A_159] : memref<1000000x32xf32, #tpu.memory_space<hbm>> -> memref<1000000x32xf32, #tpu.memory_space<hbm>>
      tpu.enqueue_indirect_dma source(%dma_start3A_160 : memref<1000000x32xf32, #tpu.memory_space<hbm>>) target(%dma_start3A_154 : memref<128x32xf32, #tpu.memory_space<vmem>>) offsets(%dma_start3A_157 : memref<128xi32, #tpu.memory_space<vmem>>) semaphore(%arg9 : memref<!tpu.dma_semaphore, #tpu.memory_space<semaphore_mem>>)
      %mul3A_161 = arith.constant 10 : i32
      %mul3A_162 = arith.muli %add3A_121, %mul3A_161 : i32
      %add3A_163 = arith.constant 3 : i32
      %add3A_164 = arith.addi %mul3A_162, %add3A_163 : i32
      %dma_start3A_165 = arith.constant 384 : i32
      %dma_start3A_166 = arith.constant 0 : i32
      %dma_start3A_167 = tpu.memref_slice %arg7[%dma_start3A_165, %dma_start3A_166] : memref<1280x32xf32, #tpu.memory_space<vmem>> -> memref<128x32xf32, #tpu.memory_space<vmem>>
      %dma_start3A_168 = arith.constant 0 : i32
      %dma_start3A_169 = tpu.memref_slice %arg5[%add3A_164, %dma_start3A_168] : memref<200x128xi32, #tpu.memory_space<vmem>> -> memref<1x128xi32, #tpu.memory_space<vmem>>
      %dma_start3A_170 = tpu.memref_squeeze %dma_start3A_169 : memref<1x128xi32, #tpu.memory_space<vmem>> -> memref<128xi32, #tpu.memory_space<vmem>>
      %dma_start3A_171 = arith.constant 0 : i32
      %dma_start3A_172 = arith.constant 0 : i32
      %dma_start3A_173 = tpu.memref_slice %arg2[%dma_start3A_171, %dma_start3A_172] : memref<1000000x32xf32, #tpu.memory_space<hbm>> -> memref<1000000x32xf32, #tpu.memory_space<hbm>>
      tpu.enqueue_indirect_dma source(%dma_start3A_173 : memref<1000000x32xf32, #tpu.memory_space<hbm>>) target(%dma_start3A_167 : memref<128x32xf32, #tpu.memory_space<vmem>>) offsets(%dma_start3A_170 : memref<128xi32, #tpu.memory_space<vmem>>) semaphore(%arg9 : memref<!tpu.dma_semaphore, #tpu.memory_space<semaphore_mem>>)
      %mul3A_174 = arith.constant 10 : i32
      %mul3A_175 = arith.muli %add3A_121, %mul3A_174 : i32
      %add3A_176 = arith.constant 4 : i32
      %add3A_177 = arith.addi %mul3A_175, %add3A_176 : i32
      %dma_start3A_178 = arith.constant 512 : i32
      %dma_start3A_179 = arith.constant 0 : i32
      %dma_start3A_180 = tpu.memref_slice %arg7[%dma_start3A_178, %dma_start3A_179] : memref<1280x32xf32, #tpu.memory_space<vmem>> -> memref<128x32xf32, #tpu.memory_space<vmem>>
      %dma_start3A_181 = arith.constant 0 : i32
      %dma_start3A_182 = tpu.memref_slice %arg5[%add3A_177, %dma_start3A_181] : memref<200x128xi32, #tpu.memory_space<vmem>> -> memref<1x128xi32, #tpu.memory_space<vmem>>
      %dma_start3A_183 = tpu.memref_squeeze %dma_start3A_182 : memref<1x128xi32, #tpu.memory_space<vmem>> -> memref<128xi32, #tpu.memory_space<vmem>>
      %dma_start3A_184 = arith.constant 0 : i32
      %dma_start3A_185 = arith.constant 0 : i32
      %dma_start3A_186 = tpu.memref_slice %arg2[%dma_start3A_184, %dma_start3A_185] : memref<1000000x32xf32, #tpu.memory_space<hbm>> -> memref<1000000x32xf32, #tpu.memory_space<hbm>>
      tpu.enqueue_indirect_dma source(%dma_start3A_186 : memref<1000000x32xf32, #tpu.memory_space<hbm>>) target(%dma_start3A_180 : memref<128x32xf32, #tpu.memory_space<vmem>>) offsets(%dma_start3A_183 : memref<128xi32, #tpu.memory_space<vmem>>) semaphore(%arg9 : memref<!tpu.dma_semaphore, #tpu.memory_space<semaphore_mem>>)
      %mul3A_187 = arith.constant 10 : i32
      %mul3A_188 = arith.muli %add3A_121, %mul3A_187 : i32
      %add3A_189 = arith.constant 5 : i32
      %add3A_190 = arith.addi %mul3A_188, %add3A_189 : i32
      %dma_start3A_191 = arith.constant 640 : i32
      %dma_start3A_192 = arith.constant 0 : i32
      %dma_start3A_193 = tpu.memref_slice %arg7[%dma_start3A_191, %dma_start3A_192] : memref<1280x32xf32, #tpu.memory_space<vmem>> -> memref<128x32xf32, #tpu.memory_space<vmem>>
      %dma_start3A_194 = arith.constant 0 : i32
      %dma_start3A_195 = tpu.memref_slice %arg5[%add3A_190, %dma_start3A_194] : memref<200x128xi32, #tpu.memory_space<vmem>> -> memref<1x128xi32, #tpu.memory_space<vmem>>
      %dma_start3A_196 = tpu.memref_squeeze %dma_start3A_195 : memref<1x128xi32, #tpu.memory_space<vmem>> -> memref<128xi32, #tpu.memory_space<vmem>>
      %dma_start3A_197 = arith.constant 0 : i32
      %dma_start3A_198 = arith.constant 0 : i32
      %dma_start3A_199 = tpu.memref_slice %arg2[%dma_start3A_197, %dma_start3A_198] : memref<1000000x32xf32, #tpu.memory_space<hbm>> -> memref<1000000x32xf32, #tpu.memory_space<hbm>>
      tpu.enqueue_indirect_dma source(%dma_start3A_199 : memref<1000000x32xf32, #tpu.memory_space<hbm>>) target(%dma_start3A_193 : memref<128x32xf32, #tpu.memory_space<vmem>>) offsets(%dma_start3A_196 : memref<128xi32, #tpu.memory_space<vmem>>) semaphore(%arg9 : memref<!tpu.dma_semaphore, #tpu.memory_space<semaphore_mem>>)
      %mul3A_200 = arith.constant 10 : i32
      %mul3A_201 = arith.muli %add3A_121, %mul3A_200 : i32
      %add3A_202 = arith.constant 6 : i32
      %add3A_203 = arith.addi %mul3A_201, %add3A_202 : i32
      %dma_start3A_204 = arith.constant 768 : i32
      %dma_start3A_205 = arith.constant 0 : i32
      %dma_start3A_206 = tpu.memref_slice %arg7[%dma_start3A_204, %dma_start3A_205] : memref<1280x32xf32, #tpu.memory_space<vmem>> -> memref<128x32xf32, #tpu.memory_space<vmem>>
      %dma_start3A_207 = arith.constant 0 : i32
      %dma_start3A_208 = tpu.memref_slice %arg5[%add3A_203, %dma_start3A_207] : memref<200x128xi32, #tpu.memory_space<vmem>> -> memref<1x128xi32, #tpu.memory_space<vmem>>
      %dma_start3A_209 = tpu.memref_squeeze %dma_start3A_208 : memref<1x128xi32, #tpu.memory_space<vmem>> -> memref<128xi32, #tpu.memory_space<vmem>>
      %dma_start3A_210 = arith.constant 0 : i32
      %dma_start3A_211 = arith.constant 0 : i32
      %dma_start3A_212 = tpu.memref_slice %arg2[%dma_start3A_210, %dma_start3A_211] : memref<1000000x32xf32, #tpu.memory_space<hbm>> -> memref<1000000x32xf32, #tpu.memory_space<hbm>>
      tpu.enqueue_indirect_dma source(%dma_start3A_212 : memref<1000000x32xf32, #tpu.memory_space<hbm>>) target(%dma_start3A_206 : memref<128x32xf32, #tpu.memory_space<vmem>>) offsets(%dma_start3A_209 : memref<128xi32, #tpu.memory_space<vmem>>) semaphore(%arg9 : memref<!tpu.dma_semaphore, #tpu.memory_space<semaphore_mem>>)
      %mul3A_213 = arith.constant 10 : i32
      %mul3A_214 = arith.muli %add3A_121, %mul3A_213 : i32
      %add3A_215 = arith.constant 7 : i32
      %add3A_216 = arith.addi %mul3A_214, %add3A_215 : i32
      %dma_start3A_217 = arith.constant 896 : i32
      %dma_start3A_218 = arith.constant 0 : i32
      %dma_start3A_219 = tpu.memref_slice %arg7[%dma_start3A_217, %dma_start3A_218] : memref<1280x32xf32, #tpu.memory_space<vmem>> -> memref<128x32xf32, #tpu.memory_space<vmem>>
      %dma_start3A_220 = arith.constant 0 : i32
      %dma_start3A_221 = tpu.memref_slice %arg5[%add3A_216, %dma_start3A_220] : memref<200x128xi32, #tpu.memory_space<vmem>> -> memref<1x128xi32, #tpu.memory_space<vmem>>
      %dma_start3A_222 = tpu.memref_squeeze %dma_start3A_221 : memref<1x128xi32, #tpu.memory_space<vmem>> -> memref<128xi32, #tpu.memory_space<vmem>>
      %dma_start3A_223 = arith.constant 0 : i32
      %dma_start3A_224 = arith.constant 0 : i32
      %dma_start3A_225 = tpu.memref_slice %arg2[%dma_start3A_223, %dma_start3A_224] : memref<1000000x32xf32, #tpu.memory_space<hbm>> -> memref<1000000x32xf32, #tpu.memory_space<hbm>>
      tpu.enqueue_indirect_dma source(%dma_start3A_225 : memref<1000000x32xf32, #tpu.memory_space<hbm>>) target(%dma_start3A_219 : memref<128x32xf32, #tpu.memory_space<vmem>>) offsets(%dma_start3A_222 : memref<128xi32, #tpu.memory_space<vmem>>) semaphore(%arg9 : memref<!tpu.dma_semaphore, #tpu.memory_space<semaphore_mem>>)
      %mul3A_226 = arith.constant 10 : i32
      %mul3A_227 = arith.muli %add3A_121, %mul3A_226 : i32
      %add3A_228 = arith.constant 8 : i32
      %add3A_229 = arith.addi %mul3A_227, %add3A_228 : i32
      %dma_start3A_230 = arith.constant 1024 : i32
      %dma_start3A_231 = arith.constant 0 : i32
      %dma_start3A_232 = tpu.memref_slice %arg7[%dma_start3A_230, %dma_start3A_231] : memref<1280x32xf32, #tpu.memory_space<vmem>> -> memref<128x32xf32, #tpu.memory_space<vmem>>
      %dma_start3A_233 = arith.constant 0 : i32
      %dma_start3A_234 = tpu.memref_slice %arg5[%add3A_229, %dma_start3A_233] : memref<200x128xi32, #tpu.memory_space<vmem>> -> memref<1x128xi32, #tpu.memory_space<vmem>>
      %dma_start3A_235 = tpu.memref_squeeze %dma_start3A_234 : memref<1x128xi32, #tpu.memory_space<vmem>> -> memref<128xi32, #tpu.memory_space<vmem>>
      %dma_start3A_236 = arith.constant 0 : i32
      %dma_start3A_237 = arith.constant 0 : i32
      %dma_start3A_238 = tpu.memref_slice %arg2[%dma_start3A_236, %dma_start3A_237] : memref<1000000x32xf32, #tpu.memory_space<hbm>> -> memref<1000000x32xf32, #tpu.memory_space<hbm>>
      tpu.enqueue_indirect_dma source(%dma_start3A_238 : memref<1000000x32xf32, #tpu.memory_space<hbm>>) target(%dma_start3A_232 : memref<128x32xf32, #tpu.memory_space<vmem>>) offsets(%dma_start3A_235 : memref<128xi32, #tpu.memory_space<vmem>>) semaphore(%arg9 : memref<!tpu.dma_semaphore, #tpu.memory_space<semaphore_mem>>)
      %mul3A_239 = arith.constant 10 : i32
      %mul3A_240 = arith.muli %add3A_121, %mul3A_239 : i32
      %add3A_241 = arith.constant 9 : i32
      %add3A_242 = arith.addi %mul3A_240, %add3A_241 : i32
      %dma_start3A_243 = arith.constant 1152 : i32
      %dma_start3A_244 = arith.constant 0 : i32
      %dma_start3A_245 = tpu.memref_slice %arg7[%dma_start3A_243, %dma_start3A_244] : memref<1280x32xf32, #tpu.memory_space<vmem>> -> memref<128x32xf32, #tpu.memory_space<vmem>>
      %dma_start3A_246 = arith.constant 0 : i32
      %dma_start3A_247 = tpu.memref_slice %arg5[%add3A_242, %dma_start3A_246] : memref<200x128xi32, #tpu.memory_space<vmem>> -> memref<1x128xi32, #tpu.memory_space<vmem>>
      %dma_start3A_248 = tpu.memref_squeeze %dma_start3A_247 : memref<1x128xi32, #tpu.memory_space<vmem>> -> memref<128xi32, #tpu.memory_space<vmem>>
      %dma_start3A_249 = arith.constant 0 : i32
      %dma_start3A_250 = arith.constant 0 : i32
      %dma_start3A_251 = tpu.memref_slice %arg2[%dma_start3A_249, %dma_start3A_250] : memref<1000000x32xf32, #tpu.memory_space<hbm>> -> memref<1000000x32xf32, #tpu.memory_space<hbm>>
      tpu.enqueue_indirect_dma source(%dma_start3A_251 : memref<1000000x32xf32, #tpu.memory_space<hbm>>) target(%dma_start3A_245 : memref<128x32xf32, #tpu.memory_space<vmem>>) offsets(%dma_start3A_248 : memref<128xi32, #tpu.memory_space<vmem>>) semaphore(%arg9 : memref<!tpu.dma_semaphore, #tpu.memory_space<semaphore_mem>>)
      %dma_wait3A_252 = arith.constant 0 : i32
      %dma_wait3A_253 = arith.constant 0 : i32
      %dma_wait3A_254 = arith.constant 0 : i32
      %dma_wait3A_255 = tpu.memref_slice %arg6[%dma_wait3A_253, %dma_wait3A_254] : memref<1280x32xf32, #tpu.memory_space<vmem>> -> memref<128x32xf32, #tpu.memory_space<vmem>>
      %dma_wait3A_256 = arith.constant 0 : i32
      %dma_wait3A_257 = tpu.memref_slice %arg5[%dma_wait3A_252, %dma_wait3A_256] : memref<200x128xi32, #tpu.memory_space<vmem>> -> memref<1x128xi32, #tpu.memory_space<vmem>>
      %dma_wait3A_258 = tpu.memref_squeeze %dma_wait3A_257 : memref<1x128xi32, #tpu.memory_space<vmem>> -> memref<128xi32, #tpu.memory_space<vmem>>
      %dma_wait3A_259 = arith.constant 0 : i32
      %dma_wait3A_260 = arith.constant 0 : i32
      %dma_wait3A_261 = tpu.memref_slice %arg2[%dma_wait3A_259, %dma_wait3A_260] : memref<1000000x32xf32, #tpu.memory_space<hbm>> -> memref<1000000x32xf32, #tpu.memory_space<hbm>>
      tpu.wait_indirect_dma semaphore(%arg8 : memref<!tpu.dma_semaphore, #tpu.memory_space<semaphore_mem>>) src(%dma_wait3A_261 : memref<1000000x32xf32, #tpu.memory_space<hbm>>) dst(%dma_wait3A_255 : memref<128x32xf32, #tpu.memory_space<vmem>>)
      %dma_wait3A_262 = arith.constant 1 : i32
      %dma_wait3A_263 = arith.constant 128 : i32
      %dma_wait3A_264 = arith.constant 0 : i32
      %dma_wait3A_265 = tpu.memref_slice %arg6[%dma_wait3A_263, %dma_wait3A_264] : memref<1280x32xf32, #tpu.memory_space<vmem>> -> memref<128x32xf32, #tpu.memory_space<vmem>>
      %dma_wait3A_266 = arith.constant 0 : i32
      %dma_wait3A_267 = tpu.memref_slice %arg5[%dma_wait3A_262, %dma_wait3A_266] : memref<200x128xi32, #tpu.memory_space<vmem>> -> memref<1x128xi32, #tpu.memory_space<vmem>>
      %dma_wait3A_268 = tpu.memref_squeeze %dma_wait3A_267 : memref<1x128xi32, #tpu.memory_space<vmem>> -> memref<128xi32, #tpu.memory_space<vmem>>
      %dma_wait3A_269 = arith.constant 0 : i32
      %dma_wait3A_270 = arith.constant 0 : i32
      %dma_wait3A_271 = tpu.memref_slice %arg2[%dma_wait3A_269, %dma_wait3A_270] : memref<1000000x32xf32, #tpu.memory_space<hbm>> -> memref<1000000x32xf32, #tpu.memory_space<hbm>>
      tpu.wait_indirect_dma semaphore(%arg8 : memref<!tpu.dma_semaphore, #tpu.memory_space<semaphore_mem>>) src(%dma_wait3A_271 : memref<1000000x32xf32, #tpu.memory_space<hbm>>) dst(%dma_wait3A_265 : memref<128x32xf32, #tpu.memory_space<vmem>>)
      %dma_wait3A_272 = arith.constant 2 : i32
      %dma_wait3A_273 = arith.constant 256 : i32
      %dma_wait3A_274 = arith.constant 0 : i32
      %dma_wait3A_275 = tpu.memref_slice %arg6[%dma_wait3A_273, %dma_wait3A_274] : memref<1280x32xf32, #tpu.memory_space<vmem>> -> memref<128x32xf32, #tpu.memory_space<vmem>>
      %dma_wait3A_276 = arith.constant 0 : i32
      %dma_wait3A_277 = tpu.memref_slice %arg5[%dma_wait3A_272, %dma_wait3A_276] : memref<200x128xi32, #tpu.memory_space<vmem>> -> memref<1x128xi32, #tpu.memory_space<vmem>>
      %dma_wait3A_278 = tpu.memref_squeeze %dma_wait3A_277 : memref<1x128xi32, #tpu.memory_space<vmem>> -> memref<128xi32, #tpu.memory_space<vmem>>
      %dma_wait3A_279 = arith.constant 0 : i32
      %dma_wait3A_280 = arith.constant 0 : i32
      %dma_wait3A_281 = tpu.memref_slice %arg2[%dma_wait3A_279, %dma_wait3A_280] : memref<1000000x32xf32, #tpu.memory_space<hbm>> -> memref<1000000x32xf32, #tpu.memory_space<hbm>>
      tpu.wait_indirect_dma semaphore(%arg8 : memref<!tpu.dma_semaphore, #tpu.memory_space<semaphore_mem>>) src(%dma_wait3A_281 : memref<1000000x32xf32, #tpu.memory_space<hbm>>) dst(%dma_wait3A_275 : memref<128x32xf32, #tpu.memory_space<vmem>>)
      %dma_wait3A_282 = arith.constant 3 : i32
      %dma_wait3A_283 = arith.constant 384 : i32
      %dma_wait3A_284 = arith.constant 0 : i32
      %dma_wait3A_285 = tpu.memref_slice %arg6[%dma_wait3A_283, %dma_wait3A_284] : memref<1280x32xf32, #tpu.memory_space<vmem>> -> memref<128x32xf32, #tpu.memory_space<vmem>>
      %dma_wait3A_286 = arith.constant 0 : i32
      %dma_wait3A_287 = tpu.memref_slice %arg5[%dma_wait3A_282, %dma_wait3A_286] : memref<200x128xi32, #tpu.memory_space<vmem>> -> memref<1x128xi32, #tpu.memory_space<vmem>>
      %dma_wait3A_288 = tpu.memref_squeeze %dma_wait3A_287 : memref<1x128xi32, #tpu.memory_space<vmem>> -> memref<128xi32, #tpu.memory_space<vmem>>
      %dma_wait3A_289 = arith.constant 0 : i32
      %dma_wait3A_290 = arith.constant 0 : i32
      %dma_wait3A_291 = tpu.memref_slice %arg2[%dma_wait3A_289, %dma_wait3A_290] : memref<1000000x32xf32, #tpu.memory_space<hbm>> -> memref<1000000x32xf32, #tpu.memory_space<hbm>>
      tpu.wait_indirect_dma semaphore(%arg8 : memref<!tpu.dma_semaphore, #tpu.memory_space<semaphore_mem>>) src(%dma_wait3A_291 : memref<1000000x32xf32, #tpu.memory_space<hbm>>) dst(%dma_wait3A_285 : memref<128x32xf32, #tpu.memory_space<vmem>>)
      %dma_wait3A_292 = arith.constant 4 : i32
      %dma_wait3A_293 = arith.constant 512 : i32
      %dma_wait3A_294 = arith.constant 0 : i32
      %dma_wait3A_295 = tpu.memref_slice %arg6[%dma_wait3A_293, %dma_wait3A_294] : memref<1280x32xf32, #tpu.memory_space<vmem>> -> memref<128x32xf32, #tpu.memory_space<vmem>>
      %dma_wait3A_296 = arith.constant 0 : i32
      %dma_wait3A_297 = tpu.memref_slice %arg5[%dma_wait3A_292, %dma_wait3A_296] : memref<200x128xi32, #tpu.memory_space<vmem>> -> memref<1x128xi32, #tpu.memory_space<vmem>>
      %dma_wait3A_298 = tpu.memref_squeeze %dma_wait3A_297 : memref<1x128xi32, #tpu.memory_space<vmem>> -> memref<128xi32, #tpu.memory_space<vmem>>
      %dma_wait3A_299 = arith.constant 0 : i32
      %dma_wait3A_300 = arith.constant 0 : i32
      %dma_wait3A_301 = tpu.memref_slice %arg2[%dma_wait3A_299, %dma_wait3A_300] : memref<1000000x32xf32, #tpu.memory_space<hbm>> -> memref<1000000x32xf32, #tpu.memory_space<hbm>>
      tpu.wait_indirect_dma semaphore(%arg8 : memref<!tpu.dma_semaphore, #tpu.memory_space<semaphore_mem>>) src(%dma_wait3A_301 : memref<1000000x32xf32, #tpu.memory_space<hbm>>) dst(%dma_wait3A_295 : memref<128x32xf32, #tpu.memory_space<vmem>>)
      %dma_wait3A_302 = arith.constant 5 : i32
      %dma_wait3A_303 = arith.constant 640 : i32
      %dma_wait3A_304 = arith.constant 0 : i32
      %dma_wait3A_305 = tpu.memref_slice %arg6[%dma_wait3A_303, %dma_wait3A_304] : memref<1280x32xf32, #tpu.memory_space<vmem>> -> memref<128x32xf32, #tpu.memory_space<vmem>>
      %dma_wait3A_306 = arith.constant 0 : i32
      %dma_wait3A_307 = tpu.memref_slice %arg5[%dma_wait3A_302, %dma_wait3A_306] : memref<200x128xi32, #tpu.memory_space<vmem>> -> memref<1x128xi32, #tpu.memory_space<vmem>>
      %dma_wait3A_308 = tpu.memref_squeeze %dma_wait3A_307 : memref<1x128xi32, #tpu.memory_space<vmem>> -> memref<128xi32, #tpu.memory_space<vmem>>
      %dma_wait3A_309 = arith.constant 0 : i32
      %dma_wait3A_310 = arith.constant 0 : i32
      %dma_wait3A_311 = tpu.memref_slice %arg2[%dma_wait3A_309, %dma_wait3A_310] : memref<1000000x32xf32, #tpu.memory_space<hbm>> -> memref<1000000x32xf32, #tpu.memory_space<hbm>>
      tpu.wait_indirect_dma semaphore(%arg8 : memref<!tpu.dma_semaphore, #tpu.memory_space<semaphore_mem>>) src(%dma_wait3A_311 : memref<1000000x32xf32, #tpu.memory_space<hbm>>) dst(%dma_wait3A_305 : memref<128x32xf32, #tpu.memory_space<vmem>>)
      %dma_wait3A_312 = arith.constant 6 : i32
      %dma_wait3A_313 = arith.constant 768 : i32
      %dma_wait3A_314 = arith.constant 0 : i32
      %dma_wait3A_315 = tpu.memref_slice %arg6[%dma_wait3A_313, %dma_wait3A_314] : memref<1280x32xf32, #tpu.memory_space<vmem>> -> memref<128x32xf32, #tpu.memory_space<vmem>>
      %dma_wait3A_316 = arith.constant 0 : i32
      %dma_wait3A_317 = tpu.memref_slice %arg5[%dma_wait3A_312, %dma_wait3A_316] : memref<200x128xi32, #tpu.memory_space<vmem>> -> memref<1x128xi32, #tpu.memory_space<vmem>>
      %dma_wait3A_318 = tpu.memref_squeeze %dma_wait3A_317 : memref<1x128xi32, #tpu.memory_space<vmem>> -> memref<128xi32, #tpu.memory_space<vmem>>
      %dma_wait3A_319 = arith.constant 0 : i32
      %dma_wait3A_320 = arith.constant 0 : i32
      %dma_wait3A_321 = tpu.memref_slice %arg2[%dma_wait3A_319, %dma_wait3A_320] : memref<1000000x32xf32, #tpu.memory_space<hbm>> -> memref<1000000x32xf32, #tpu.memory_space<hbm>>
      tpu.wait_indirect_dma semaphore(%arg8 : memref<!tpu.dma_semaphore, #tpu.memory_space<semaphore_mem>>) src(%dma_wait3A_321 : memref<1000000x32xf32, #tpu.memory_space<hbm>>) dst(%dma_wait3A_315 : memref<128x32xf32, #tpu.memory_space<vmem>>)
      %dma_wait3A_322 = arith.constant 7 : i32
      %dma_wait3A_323 = arith.constant 896 : i32
      %dma_wait3A_324 = arith.constant 0 : i32
      %dma_wait3A_325 = tpu.memref_slice %arg6[%dma_wait3A_323, %dma_wait3A_324] : memref<1280x32xf32, #tpu.memory_space<vmem>> -> memref<128x32xf32, #tpu.memory_space<vmem>>
      %dma_wait3A_326 = arith.constant 0 : i32
      %dma_wait3A_327 = tpu.memref_slice %arg5[%dma_wait3A_322, %dma_wait3A_326] : memref<200x128xi32, #tpu.memory_space<vmem>> -> memref<1x128xi32, #tpu.memory_space<vmem>>
      %dma_wait3A_328 = tpu.memref_squeeze %dma_wait3A_327 : memref<1x128xi32, #tpu.memory_space<vmem>> -> memref<128xi32, #tpu.memory_space<vmem>>
      %dma_wait3A_329 = arith.constant 0 : i32
      %dma_wait3A_330 = arith.constant 0 : i32
      %dma_wait3A_331 = tpu.memref_slice %arg2[%dma_wait3A_329, %dma_wait3A_330] : memref<1000000x32xf32, #tpu.memory_space<hbm>> -> memref<1000000x32xf32, #tpu.memory_space<hbm>>
      tpu.wait_indirect_dma semaphore(%arg8 : memref<!tpu.dma_semaphore, #tpu.memory_space<semaphore_mem>>) src(%dma_wait3A_331 : memref<1000000x32xf32, #tpu.memory_space<hbm>>) dst(%dma_wait3A_325 : memref<128x32xf32, #tpu.memory_space<vmem>>)
      %dma_wait3A_332 = arith.constant 8 : i32
      %dma_wait3A_333 = arith.constant 1024 : i32
      %dma_wait3A_334 = arith.constant 0 : i32
      %dma_wait3A_335 = tpu.memref_slice %arg6[%dma_wait3A_333, %dma_wait3A_334] : memref<1280x32xf32, #tpu.memory_space<vmem>> -> memref<128x32xf32, #tpu.memory_space<vmem>>
      %dma_wait3A_336 = arith.constant 0 : i32
      %dma_wait3A_337 = tpu.memref_slice %arg5[%dma_wait3A_332, %dma_wait3A_336] : memref<200x128xi32, #tpu.memory_space<vmem>> -> memref<1x128xi32, #tpu.memory_space<vmem>>
      %dma_wait3A_338 = tpu.memref_squeeze %dma_wait3A_337 : memref<1x128xi32, #tpu.memory_space<vmem>> -> memref<128xi32, #tpu.memory_space<vmem>>
      %dma_wait3A_339 = arith.constant 0 : i32
      %dma_wait3A_340 = arith.constant 0 : i32
      %dma_wait3A_341 = tpu.memref_slice %arg2[%dma_wait3A_339, %dma_wait3A_340] : memref<1000000x32xf32, #tpu.memory_space<hbm>> -> memref<1000000x32xf32, #tpu.memory_space<hbm>>
      tpu.wait_indirect_dma semaphore(%arg8 : memref<!tpu.dma_semaphore, #tpu.memory_space<semaphore_mem>>) src(%dma_wait3A_341 : memref<1000000x32xf32, #tpu.memory_space<hbm>>) dst(%dma_wait3A_335 : memref<128x32xf32, #tpu.memory_space<vmem>>)
      %dma_wait3A_342 = arith.constant 9 : i32
      %dma_wait3A_343 = arith.constant 1152 : i32
      %dma_wait3A_344 = arith.constant 0 : i32
      %dma_wait3A_345 = tpu.memref_slice %arg6[%dma_wait3A_343, %dma_wait3A_344] : memref<1280x32xf32, #tpu.memory_space<vmem>> -> memref<128x32xf32, #tpu.memory_space<vmem>>
      %dma_wait3A_346 = arith.constant 0 : i32
      %dma_wait3A_347 = tpu.memref_slice %arg5[%dma_wait3A_342, %dma_wait3A_346] : memref<200x128xi32, #tpu.memory_space<vmem>> -> memref<1x128xi32, #tpu.memory_space<vmem>>
      %dma_wait3A_348 = tpu.memref_squeeze %dma_wait3A_347 : memref<1x128xi32, #tpu.memory_space<vmem>> -> memref<128xi32, #tpu.memory_space<vmem>>
      %dma_wait3A_349 = arith.constant 0 : i32
      %dma_wait3A_350 = arith.constant 0 : i32
      %dma_wait3A_351 = tpu.memref_slice %arg2[%dma_wait3A_349, %dma_wait3A_350] : memref<1000000x32xf32, #tpu.memory_space<hbm>> -> memref<1000000x32xf32, #tpu.memory_space<hbm>>
      tpu.wait_indirect_dma semaphore(%arg8 : memref<!tpu.dma_semaphore, #tpu.memory_space<semaphore_mem>>) src(%dma_wait3A_351 : memref<1000000x32xf32, #tpu.memory_space<hbm>>) dst(%dma_wait3A_345 : memref<128x32xf32, #tpu.memory_space<vmem>>)
      %mul3A_352 = arith.constant 1280 : i32
      %mul3A_353 = arith.muli %add3A_117, %mul3A_352 : i32
      %add3A_354 = arith.addi %mul3A_2, %mul3A_353 : i32
      %dma_start3A_355 = arith.constant 0 : i32
      %dma_start3A_356 = tpu.memref_slice %arg4[%add3A_354, %dma_start3A_355] : memref<819200x32xf32, #tpu.memory_space<hbm>> -> memref<1280x32xf32, #tpu.memory_space<hbm>>
      %dma_start3A_357 = arith.constant 0 : i32
      %dma_start3A_358 = tpu.memref_slice %arg4[%add3A_354, %dma_start3A_357] : memref<819200x32xf32, #tpu.memory_space<hbm>> -> memref<1280x32xf32, #tpu.memory_space<hbm>>
      tpu.enqueue_dma source(%arg6 : memref<1280x32xf32, #tpu.memory_space<vmem>>) target(%dma_start3A_358 : memref<1280x32xf32, #tpu.memory_space<hbm>>) target_semaphore(%arg10 : memref<!tpu.dma_semaphore, #tpu.memory_space<semaphore_mem>>)
      %add3A_359 = arith.constant 2 : i32
      %add3A_360 = arith.addi %add3A_117, %add3A_359 : i32
      %lt3A = arith.constant 20 : i32
      %lt3A_361 = arith.cmpi slt, %add3A_360, %lt3A : i32
      %convert_element_type3A_362 = arith.extui %lt3A_361 : i1 to i32
      %cond3A_363 = arith.constant 0 : i32
      %cond3A_364 = arith.cmpi ne, %convert_element_type3A_362, %cond3A_363 : i32
      scf.if %cond3A_364 {
        %dma_wait3A_474 = arith.constant 0 : i32
        %dma_wait3A_475 = tpu.memref_slice %arg4[%mul3A_2, %dma_wait3A_474] : memref<819200x32xf32, #tpu.memory_space<hbm>> -> memref<1280x32xf32, #tpu.memory_space<hbm>>
        %dma_wait3A_476 = arith.constant 0 : i32
        %dma_wait3A_477 = tpu.memref_slice %arg4[%mul3A_2, %dma_wait3A_476] : memref<819200x32xf32, #tpu.memory_space<hbm>> -> memref<1280x32xf32, #tpu.memory_space<hbm>>
        tpu.wait_dma2 semaphore(%arg10 : memref<!tpu.dma_semaphore, #tpu.memory_space<semaphore_mem>>) src(%arg6 : memref<1280x32xf32, #tpu.memory_space<vmem>>) dst(%dma_wait3A_477 : memref<1280x32xf32, #tpu.memory_space<hbm>>)
        %add3A_478 = arith.constant 2 : i32
        %add3A_479 = arith.addi %add3A_117, %add3A_478 : i32
        %mul3A_480 = arith.constant 10 : i32
        %mul3A_481 = arith.muli %add3A_479, %mul3A_480 : i32
        %add3A_482 = arith.constant 0 : i32
        %add3A_483 = arith.addi %mul3A_481, %add3A_482 : i32
        %dma_start3A_484 = arith.constant 0 : i32
        %dma_start3A_485 = arith.constant 0 : i32
        %dma_start3A_486 = tpu.memref_slice %arg6[%dma_start3A_484, %dma_start3A_485] : memref<1280x32xf32, #tpu.memory_space<vmem>> -> memref<128x32xf32, #tpu.memory_space<vmem>>
        %dma_start3A_487 = arith.constant 0 : i32
        %dma_start3A_488 = tpu.memref_slice %arg5[%add3A_483, %dma_start3A_487] : memref<200x128xi32, #tpu.memory_space<vmem>> -> memref<1x128xi32, #tpu.memory_space<vmem>>
        %dma_start3A_489 = tpu.memref_squeeze %dma_start3A_488 : memref<1x128xi32, #tpu.memory_space<vmem>> -> memref<128xi32, #tpu.memory_space<vmem>>
        %dma_start3A_490 = arith.constant 0 : i32
        %dma_start3A_491 = arith.constant 0 : i32
        %dma_start3A_492 = tpu.memref_slice %arg2[%dma_start3A_490, %dma_start3A_491] : memref<1000000x32xf32, #tpu.memory_space<hbm>> -> memref<1000000x32xf32, #tpu.memory_space<hbm>>
        tpu.enqueue_indirect_dma source(%dma_start3A_492 : memref<1000000x32xf32, #tpu.memory_space<hbm>>) target(%dma_start3A_486 : memref<128x32xf32, #tpu.memory_space<vmem>>) offsets(%dma_start3A_489 : memref<128xi32, #tpu.memory_space<vmem>>) semaphore(%arg8 : memref<!tpu.dma_semaphore, #tpu.memory_space<semaphore_mem>>)
        %mul3A_493 = arith.constant 10 : i32
        %mul3A_494 = arith.muli %add3A_479, %mul3A_493 : i32
        %add3A_495 = arith.constant 1 : i32
        %add3A_496 = arith.addi %mul3A_494, %add3A_495 : i32
        %dma_start3A_497 = arith.constant 128 : i32
        %dma_start3A_498 = arith.constant 0 : i32
        %dma_start3A_499 = tpu.memref_slice %arg6[%dma_start3A_497, %dma_start3A_498] : memref<1280x32xf32, #tpu.memory_space<vmem>> -> memref<128x32xf32, #tpu.memory_space<vmem>>
        %dma_start3A_500 = arith.constant 0 : i32
        %dma_start3A_501 = tpu.memref_slice %arg5[%add3A_496, %dma_start3A_500] : memref<200x128xi32, #tpu.memory_space<vmem>> -> memref<1x128xi32, #tpu.memory_space<vmem>>
        %dma_start3A_502 = tpu.memref_squeeze %dma_start3A_501 : memref<1x128xi32, #tpu.memory_space<vmem>> -> memref<128xi32, #tpu.memory_space<vmem>>
        %dma_start3A_503 = arith.constant 0 : i32
        %dma_start3A_504 = arith.constant 0 : i32
        %dma_start3A_505 = tpu.memref_slice %arg2[%dma_start3A_503, %dma_start3A_504] : memref<1000000x32xf32, #tpu.memory_space<hbm>> -> memref<1000000x32xf32, #tpu.memory_space<hbm>>
        tpu.enqueue_indirect_dma source(%dma_start3A_505 : memref<1000000x32xf32, #tpu.memory_space<hbm>>) target(%dma_start3A_499 : memref<128x32xf32, #tpu.memory_space<vmem>>) offsets(%dma_start3A_502 : memref<128xi32, #tpu.memory_space<vmem>>) semaphore(%arg8 : memref<!tpu.dma_semaphore, #tpu.memory_space<semaphore_mem>>)
        %mul3A_506 = arith.constant 10 : i32
        %mul3A_507 = arith.muli %add3A_479, %mul3A_506 : i32
        %add3A_508 = arith.constant 2 : i32
        %add3A_509 = arith.addi %mul3A_507, %add3A_508 : i32
        %dma_start3A_510 = arith.constant 256 : i32
        %dma_start3A_511 = arith.constant 0 : i32
        %dma_start3A_512 = tpu.memref_slice %arg6[%dma_start3A_510, %dma_start3A_511] : memref<1280x32xf32, #tpu.memory_space<vmem>> -> memref<128x32xf32, #tpu.memory_space<vmem>>
        %dma_start3A_513 = arith.constant 0 : i32
        %dma_start3A_514 = tpu.memref_slice %arg5[%add3A_509, %dma_start3A_513] : memref<200x128xi32, #tpu.memory_space<vmem>> -> memref<1x128xi32, #tpu.memory_space<vmem>>
        %dma_start3A_515 = tpu.memref_squeeze %dma_start3A_514 : memref<1x128xi32, #tpu.memory_space<vmem>> -> memref<128xi32, #tpu.memory_space<vmem>>
        %dma_start3A_516 = arith.constant 0 : i32
        %dma_start3A_517 = arith.constant 0 : i32
        %dma_start3A_518 = tpu.memref_slice %arg2[%dma_start3A_516, %dma_start3A_517] : memref<1000000x32xf32, #tpu.memory_space<hbm>> -> memref<1000000x32xf32, #tpu.memory_space<hbm>>
        tpu.enqueue_indirect_dma source(%dma_start3A_518 : memref<1000000x32xf32, #tpu.memory_space<hbm>>) target(%dma_start3A_512 : memref<128x32xf32, #tpu.memory_space<vmem>>) offsets(%dma_start3A_515 : memref<128xi32, #tpu.memory_space<vmem>>) semaphore(%arg8 : memref<!tpu.dma_semaphore, #tpu.memory_space<semaphore_mem>>)
        %mul3A_519 = arith.constant 10 : i32
        %mul3A_520 = arith.muli %add3A_479, %mul3A_519 : i32
        %add3A_521 = arith.constant 3 : i32
        %add3A_522 = arith.addi %mul3A_520, %add3A_521 : i32
        %dma_start3A_523 = arith.constant 384 : i32
        %dma_start3A_524 = arith.constant 0 : i32
        %dma_start3A_525 = tpu.memref_slice %arg6[%dma_start3A_523, %dma_start3A_524] : memref<1280x32xf32, #tpu.memory_space<vmem>> -> memref<128x32xf32, #tpu.memory_space<vmem>>
        %dma_start3A_526 = arith.constant 0 : i32
        %dma_start3A_527 = tpu.memref_slice %arg5[%add3A_522, %dma_start3A_526] : memref<200x128xi32, #tpu.memory_space<vmem>> -> memref<1x128xi32, #tpu.memory_space<vmem>>
        %dma_start3A_528 = tpu.memref_squeeze %dma_start3A_527 : memref<1x128xi32, #tpu.memory_space<vmem>> -> memref<128xi32, #tpu.memory_space<vmem>>
        %dma_start3A_529 = arith.constant 0 : i32
        %dma_start3A_530 = arith.constant 0 : i32
        %dma_start3A_531 = tpu.memref_slice %arg2[%dma_start3A_529, %dma_start3A_530] : memref<1000000x32xf32, #tpu.memory_space<hbm>> -> memref<1000000x32xf32, #tpu.memory_space<hbm>>
        tpu.enqueue_indirect_dma source(%dma_start3A_531 : memref<1000000x32xf32, #tpu.memory_space<hbm>>) target(%dma_start3A_525 : memref<128x32xf32, #tpu.memory_space<vmem>>) offsets(%dma_start3A_528 : memref<128xi32, #tpu.memory_space<vmem>>) semaphore(%arg8 : memref<!tpu.dma_semaphore, #tpu.memory_space<semaphore_mem>>)
        %mul3A_532 = arith.constant 10 : i32
        %mul3A_533 = arith.muli %add3A_479, %mul3A_532 : i32
        %add3A_534 = arith.constant 4 : i32
        %add3A_535 = arith.addi %mul3A_533, %add3A_534 : i32
        %dma_start3A_536 = arith.constant 512 : i32
        %dma_start3A_537 = arith.constant 0 : i32
        %dma_start3A_538 = tpu.memref_slice %arg6[%dma_start3A_536, %dma_start3A_537] : memref<1280x32xf32, #tpu.memory_space<vmem>> -> memref<128x32xf32, #tpu.memory_space<vmem>>
        %dma_start3A_539 = arith.constant 0 : i32
        %dma_start3A_540 = tpu.memref_slice %arg5[%add3A_535, %dma_start3A_539] : memref<200x128xi32, #tpu.memory_space<vmem>> -> memref<1x128xi32, #tpu.memory_space<vmem>>
        %dma_start3A_541 = tpu.memref_squeeze %dma_start3A_540 : memref<1x128xi32, #tpu.memory_space<vmem>> -> memref<128xi32, #tpu.memory_space<vmem>>
        %dma_start3A_542 = arith.constant 0 : i32
        %dma_start3A_543 = arith.constant 0 : i32
        %dma_start3A_544 = tpu.memref_slice %arg2[%dma_start3A_542, %dma_start3A_543] : memref<1000000x32xf32, #tpu.memory_space<hbm>> -> memref<1000000x32xf32, #tpu.memory_space<hbm>>
        tpu.enqueue_indirect_dma source(%dma_start3A_544 : memref<1000000x32xf32, #tpu.memory_space<hbm>>) target(%dma_start3A_538 : memref<128x32xf32, #tpu.memory_space<vmem>>) offsets(%dma_start3A_541 : memref<128xi32, #tpu.memory_space<vmem>>) semaphore(%arg8 : memref<!tpu.dma_semaphore, #tpu.memory_space<semaphore_mem>>)
        %mul3A_545 = arith.constant 10 : i32
        %mul3A_546 = arith.muli %add3A_479, %mul3A_545 : i32
        %add3A_547 = arith.constant 5 : i32
        %add3A_548 = arith.addi %mul3A_546, %add3A_547 : i32
        %dma_start3A_549 = arith.constant 640 : i32
        %dma_start3A_550 = arith.constant 0 : i32
        %dma_start3A_551 = tpu.memref_slice %arg6[%dma_start3A_549, %dma_start3A_550] : memref<1280x32xf32, #tpu.memory_space<vmem>> -> memref<128x32xf32, #tpu.memory_space<vmem>>
        %dma_start3A_552 = arith.constant 0 : i32
        %dma_start3A_553 = tpu.memref_slice %arg5[%add3A_548, %dma_start3A_552] : memref<200x128xi32, #tpu.memory_space<vmem>> -> memref<1x128xi32, #tpu.memory_space<vmem>>
        %dma_start3A_554 = tpu.memref_squeeze %dma_start3A_553 : memref<1x128xi32, #tpu.memory_space<vmem>> -> memref<128xi32, #tpu.memory_space<vmem>>
        %dma_start3A_555 = arith.constant 0 : i32
        %dma_start3A_556 = arith.constant 0 : i32
        %dma_start3A_557 = tpu.memref_slice %arg2[%dma_start3A_555, %dma_start3A_556] : memref<1000000x32xf32, #tpu.memory_space<hbm>> -> memref<1000000x32xf32, #tpu.memory_space<hbm>>
        tpu.enqueue_indirect_dma source(%dma_start3A_557 : memref<1000000x32xf32, #tpu.memory_space<hbm>>) target(%dma_start3A_551 : memref<128x32xf32, #tpu.memory_space<vmem>>) offsets(%dma_start3A_554 : memref<128xi32, #tpu.memory_space<vmem>>) semaphore(%arg8 : memref<!tpu.dma_semaphore, #tpu.memory_space<semaphore_mem>>)
        %mul3A_558 = arith.constant 10 : i32
        %mul3A_559 = arith.muli %add3A_479, %mul3A_558 : i32
        %add3A_560 = arith.constant 6 : i32
        %add3A_561 = arith.addi %mul3A_559, %add3A_560 : i32
        %dma_start3A_562 = arith.constant 768 : i32
        %dma_start3A_563 = arith.constant 0 : i32
        %dma_start3A_564 = tpu.memref_slice %arg6[%dma_start3A_562, %dma_start3A_563] : memref<1280x32xf32, #tpu.memory_space<vmem>> -> memref<128x32xf32, #tpu.memory_space<vmem>>
        %dma_start3A_565 = arith.constant 0 : i32
        %dma_start3A_566 = tpu.memref_slice %arg5[%add3A_561, %dma_start3A_565] : memref<200x128xi32, #tpu.memory_space<vmem>> -> memref<1x128xi32, #tpu.memory_space<vmem>>
        %dma_start3A_567 = tpu.memref_squeeze %dma_start3A_566 : memref<1x128xi32, #tpu.memory_space<vmem>> -> memref<128xi32, #tpu.memory_space<vmem>>
        %dma_start3A_568 = arith.constant 0 : i32
        %dma_start3A_569 = arith.constant 0 : i32
        %dma_start3A_570 = tpu.memref_slice %arg2[%dma_start3A_568, %dma_start3A_569] : memref<1000000x32xf32, #tpu.memory_space<hbm>> -> memref<1000000x32xf32, #tpu.memory_space<hbm>>
        tpu.enqueue_indirect_dma source(%dma_start3A_570 : memref<1000000x32xf32, #tpu.memory_space<hbm>>) target(%dma_start3A_564 : memref<128x32xf32, #tpu.memory_space<vmem>>) offsets(%dma_start3A_567 : memref<128xi32, #tpu.memory_space<vmem>>) semaphore(%arg8 : memref<!tpu.dma_semaphore, #tpu.memory_space<semaphore_mem>>)
        %mul3A_571 = arith.constant 10 : i32
        %mul3A_572 = arith.muli %add3A_479, %mul3A_571 : i32
        %add3A_573 = arith.constant 7 : i32
        %add3A_574 = arith.addi %mul3A_572, %add3A_573 : i32
        %dma_start3A_575 = arith.constant 896 : i32
        %dma_start3A_576 = arith.constant 0 : i32
        %dma_start3A_577 = tpu.memref_slice %arg6[%dma_start3A_575, %dma_start3A_576] : memref<1280x32xf32, #tpu.memory_space<vmem>> -> memref<128x32xf32, #tpu.memory_space<vmem>>
        %dma_start3A_578 = arith.constant 0 : i32
        %dma_start3A_579 = tpu.memref_slice %arg5[%add3A_574, %dma_start3A_578] : memref<200x128xi32, #tpu.memory_space<vmem>> -> memref<1x128xi32, #tpu.memory_space<vmem>>
        %dma_start3A_580 = tpu.memref_squeeze %dma_start3A_579 : memref<1x128xi32, #tpu.memory_space<vmem>> -> memref<128xi32, #tpu.memory_space<vmem>>
        %dma_start3A_581 = arith.constant 0 : i32
        %dma_start3A_582 = arith.constant 0 : i32
        %dma_start3A_583 = tpu.memref_slice %arg2[%dma_start3A_581, %dma_start3A_582] : memref<1000000x32xf32, #tpu.memory_space<hbm>> -> memref<1000000x32xf32, #tpu.memory_space<hbm>>
        tpu.enqueue_indirect_dma source(%dma_start3A_583 : memref<1000000x32xf32, #tpu.memory_space<hbm>>) target(%dma_start3A_577 : memref<128x32xf32, #tpu.memory_space<vmem>>) offsets(%dma_start3A_580 : memref<128xi32, #tpu.memory_space<vmem>>) semaphore(%arg8 : memref<!tpu.dma_semaphore, #tpu.memory_space<semaphore_mem>>)
        %mul3A_584 = arith.constant 10 : i32
        %mul3A_585 = arith.muli %add3A_479, %mul3A_584 : i32
        %add3A_586 = arith.constant 8 : i32
        %add3A_587 = arith.addi %mul3A_585, %add3A_586 : i32
        %dma_start3A_588 = arith.constant 1024 : i32
        %dma_start3A_589 = arith.constant 0 : i32
        %dma_start3A_590 = tpu.memref_slice %arg6[%dma_start3A_588, %dma_start3A_589] : memref<1280x32xf32, #tpu.memory_space<vmem>> -> memref<128x32xf32, #tpu.memory_space<vmem>>
        %dma_start3A_591 = arith.constant 0 : i32
        %dma_start3A_592 = tpu.memref_slice %arg5[%add3A_587, %dma_start3A_591] : memref<200x128xi32, #tpu.memory_space<vmem>> -> memref<1x128xi32, #tpu.memory_space<vmem>>
        %dma_start3A_593 = tpu.memref_squeeze %dma_start3A_592 : memref<1x128xi32, #tpu.memory_space<vmem>> -> memref<128xi32, #tpu.memory_space<vmem>>
        %dma_start3A_594 = arith.constant 0 : i32
        %dma_start3A_595 = arith.constant 0 : i32
        %dma_start3A_596 = tpu.memref_slice %arg2[%dma_start3A_594, %dma_start3A_595] : memref<1000000x32xf32, #tpu.memory_space<hbm>> -> memref<1000000x32xf32, #tpu.memory_space<hbm>>
        tpu.enqueue_indirect_dma source(%dma_start3A_596 : memref<1000000x32xf32, #tpu.memory_space<hbm>>) target(%dma_start3A_590 : memref<128x32xf32, #tpu.memory_space<vmem>>) offsets(%dma_start3A_593 : memref<128xi32, #tpu.memory_space<vmem>>) semaphore(%arg8 : memref<!tpu.dma_semaphore, #tpu.memory_space<semaphore_mem>>)
        %mul3A_597 = arith.constant 10 : i32
        %mul3A_598 = arith.muli %add3A_479, %mul3A_597 : i32
        %add3A_599 = arith.constant 9 : i32
        %add3A_600 = arith.addi %mul3A_598, %add3A_599 : i32
        %dma_start3A_601 = arith.constant 1152 : i32
        %dma_start3A_602 = arith.constant 0 : i32
        %dma_start3A_603 = tpu.memref_slice %arg6[%dma_start3A_601, %dma_start3A_602] : memref<1280x32xf32, #tpu.memory_space<vmem>> -> memref<128x32xf32, #tpu.memory_space<vmem>>
        %dma_start3A_604 = arith.constant 0 : i32
        %dma_start3A_605 = tpu.memref_slice %arg5[%add3A_600, %dma_start3A_604] : memref<200x128xi32, #tpu.memory_space<vmem>> -> memref<1x128xi32, #tpu.memory_space<vmem>>
        %dma_start3A_606 = tpu.memref_squeeze %dma_start3A_605 : memref<1x128xi32, #tpu.memory_space<vmem>> -> memref<128xi32, #tpu.memory_space<vmem>>
        %dma_start3A_607 = arith.constant 0 : i32
        %dma_start3A_608 = arith.constant 0 : i32
        %dma_start3A_609 = tpu.memref_slice %arg2[%dma_start3A_607, %dma_start3A_608] : memref<1000000x32xf32, #tpu.memory_space<hbm>> -> memref<1000000x32xf32, #tpu.memory_space<hbm>>
        tpu.enqueue_indirect_dma source(%dma_start3A_609 : memref<1000000x32xf32, #tpu.memory_space<hbm>>) target(%dma_start3A_603 : memref<128x32xf32, #tpu.memory_space<vmem>>) offsets(%dma_start3A_606 : memref<128xi32, #tpu.memory_space<vmem>>) semaphore(%arg8 : memref<!tpu.dma_semaphore, #tpu.memory_space<semaphore_mem>>)
      } else {
      }
      %dma_wait3A_365 = arith.constant 0 : i32
      %dma_wait3A_366 = arith.constant 0 : i32
      %dma_wait3A_367 = arith.constant 0 : i32
      %dma_wait3A_368 = tpu.memref_slice %arg7[%dma_wait3A_366, %dma_wait3A_367] : memref<1280x32xf32, #tpu.memory_space<vmem>> -> memref<128x32xf32, #tpu.memory_space<vmem>>
      %dma_wait3A_369 = arith.constant 0 : i32
      %dma_wait3A_370 = tpu.memref_slice %arg5[%dma_wait3A_365, %dma_wait3A_369] : memref<200x128xi32, #tpu.memory_space<vmem>> -> memref<1x128xi32, #tpu.memory_space<vmem>>
      %dma_wait3A_371 = tpu.memref_squeeze %dma_wait3A_370 : memref<1x128xi32, #tpu.memory_space<vmem>> -> memref<128xi32, #tpu.memory_space<vmem>>
      %dma_wait3A_372 = arith.constant 0 : i32
      %dma_wait3A_373 = arith.constant 0 : i32
      %dma_wait3A_374 = tpu.memref_slice %arg2[%dma_wait3A_372, %dma_wait3A_373] : memref<1000000x32xf32, #tpu.memory_space<hbm>> -> memref<1000000x32xf32, #tpu.memory_space<hbm>>
      tpu.wait_indirect_dma semaphore(%arg9 : memref<!tpu.dma_semaphore, #tpu.memory_space<semaphore_mem>>) src(%dma_wait3A_374 : memref<1000000x32xf32, #tpu.memory_space<hbm>>) dst(%dma_wait3A_368 : memref<128x32xf32, #tpu.memory_space<vmem>>)
      %dma_wait3A_375 = arith.constant 1 : i32
      %dma_wait3A_376 = arith.constant 128 : i32
      %dma_wait3A_377 = arith.constant 0 : i32
      %dma_wait3A_378 = tpu.memref_slice %arg7[%dma_wait3A_376, %dma_wait3A_377] : memref<1280x32xf32, #tpu.memory_space<vmem>> -> memref<128x32xf32, #tpu.memory_space<vmem>>
      %dma_wait3A_379 = arith.constant 0 : i32
      %dma_wait3A_380 = tpu.memref_slice %arg5[%dma_wait3A_375, %dma_wait3A_379] : memref<200x128xi32, #tpu.memory_space<vmem>> -> memref<1x128xi32, #tpu.memory_space<vmem>>
      %dma_wait3A_381 = tpu.memref_squeeze %dma_wait3A_380 : memref<1x128xi32, #tpu.memory_space<vmem>> -> memref<128xi32, #tpu.memory_space<vmem>>
      %dma_wait3A_382 = arith.constant 0 : i32
      %dma_wait3A_383 = arith.constant 0 : i32
      %dma_wait3A_384 = tpu.memref_slice %arg2[%dma_wait3A_382, %dma_wait3A_383] : memref<1000000x32xf32, #tpu.memory_space<hbm>> -> memref<1000000x32xf32, #tpu.memory_space<hbm>>
      tpu.wait_indirect_dma semaphore(%arg9 : memref<!tpu.dma_semaphore, #tpu.memory_space<semaphore_mem>>) src(%dma_wait3A_384 : memref<1000000x32xf32, #tpu.memory_space<hbm>>) dst(%dma_wait3A_378 : memref<128x32xf32, #tpu.memory_space<vmem>>)
      %dma_wait3A_385 = arith.constant 2 : i32
      %dma_wait3A_386 = arith.constant 256 : i32
      %dma_wait3A_387 = arith.constant 0 : i32
      %dma_wait3A_388 = tpu.memref_slice %arg7[%dma_wait3A_386, %dma_wait3A_387] : memref<1280x32xf32, #tpu.memory_space<vmem>> -> memref<128x32xf32, #tpu.memory_space<vmem>>
      %dma_wait3A_389 = arith.constant 0 : i32
      %dma_wait3A_390 = tpu.memref_slice %arg5[%dma_wait3A_385, %dma_wait3A_389] : memref<200x128xi32, #tpu.memory_space<vmem>> -> memref<1x128xi32, #tpu.memory_space<vmem>>
      %dma_wait3A_391 = tpu.memref_squeeze %dma_wait3A_390 : memref<1x128xi32, #tpu.memory_space<vmem>> -> memref<128xi32, #tpu.memory_space<vmem>>
      %dma_wait3A_392 = arith.constant 0 : i32
      %dma_wait3A_393 = arith.constant 0 : i32
      %dma_wait3A_394 = tpu.memref_slice %arg2[%dma_wait3A_392, %dma_wait3A_393] : memref<1000000x32xf32, #tpu.memory_space<hbm>> -> memref<1000000x32xf32, #tpu.memory_space<hbm>>
      tpu.wait_indirect_dma semaphore(%arg9 : memref<!tpu.dma_semaphore, #tpu.memory_space<semaphore_mem>>) src(%dma_wait3A_394 : memref<1000000x32xf32, #tpu.memory_space<hbm>>) dst(%dma_wait3A_388 : memref<128x32xf32, #tpu.memory_space<vmem>>)
      %dma_wait3A_395 = arith.constant 3 : i32
      %dma_wait3A_396 = arith.constant 384 : i32
      %dma_wait3A_397 = arith.constant 0 : i32
      %dma_wait3A_398 = tpu.memref_slice %arg7[%dma_wait3A_396, %dma_wait3A_397] : memref<1280x32xf32, #tpu.memory_space<vmem>> -> memref<128x32xf32, #tpu.memory_space<vmem>>
      %dma_wait3A_399 = arith.constant 0 : i32
      %dma_wait3A_400 = tpu.memref_slice %arg5[%dma_wait3A_395, %dma_wait3A_399] : memref<200x128xi32, #tpu.memory_space<vmem>> -> memref<1x128xi32, #tpu.memory_space<vmem>>
      %dma_wait3A_401 = tpu.memref_squeeze %dma_wait3A_400 : memref<1x128xi32, #tpu.memory_space<vmem>> -> memref<128xi32, #tpu.memory_space<vmem>>
      %dma_wait3A_402 = arith.constant 0 : i32
      %dma_wait3A_403 = arith.constant 0 : i32
      %dma_wait3A_404 = tpu.memref_slice %arg2[%dma_wait3A_402, %dma_wait3A_403] : memref<1000000x32xf32, #tpu.memory_space<hbm>> -> memref<1000000x32xf32, #tpu.memory_space<hbm>>
      tpu.wait_indirect_dma semaphore(%arg9 : memref<!tpu.dma_semaphore, #tpu.memory_space<semaphore_mem>>) src(%dma_wait3A_404 : memref<1000000x32xf32, #tpu.memory_space<hbm>>) dst(%dma_wait3A_398 : memref<128x32xf32, #tpu.memory_space<vmem>>)
      %dma_wait3A_405 = arith.constant 4 : i32
      %dma_wait3A_406 = arith.constant 512 : i32
      %dma_wait3A_407 = arith.constant 0 : i32
      %dma_wait3A_408 = tpu.memref_slice %arg7[%dma_wait3A_406, %dma_wait3A_407] : memref<1280x32xf32, #tpu.memory_space<vmem>> -> memref<128x32xf32, #tpu.memory_space<vmem>>
      %dma_wait3A_409 = arith.constant 0 : i32
      %dma_wait3A_410 = tpu.memref_slice %arg5[%dma_wait3A_405, %dma_wait3A_409] : memref<200x128xi32, #tpu.memory_space<vmem>> -> memref<1x128xi32, #tpu.memory_space<vmem>>
      %dma_wait3A_411 = tpu.memref_squeeze %dma_wait3A_410 : memref<1x128xi32, #tpu.memory_space<vmem>> -> memref<128xi32, #tpu.memory_space<vmem>>
      %dma_wait3A_412 = arith.constant 0 : i32
      %dma_wait3A_413 = arith.constant 0 : i32
      %dma_wait3A_414 = tpu.memref_slice %arg2[%dma_wait3A_412, %dma_wait3A_413] : memref<1000000x32xf32, #tpu.memory_space<hbm>> -> memref<1000000x32xf32, #tpu.memory_space<hbm>>
      tpu.wait_indirect_dma semaphore(%arg9 : memref<!tpu.dma_semaphore, #tpu.memory_space<semaphore_mem>>) src(%dma_wait3A_414 : memref<1000000x32xf32, #tpu.memory_space<hbm>>) dst(%dma_wait3A_408 : memref<128x32xf32, #tpu.memory_space<vmem>>)
      %dma_wait3A_415 = arith.constant 5 : i32
      %dma_wait3A_416 = arith.constant 640 : i32
      %dma_wait3A_417 = arith.constant 0 : i32
      %dma_wait3A_418 = tpu.memref_slice %arg7[%dma_wait3A_416, %dma_wait3A_417] : memref<1280x32xf32, #tpu.memory_space<vmem>> -> memref<128x32xf32, #tpu.memory_space<vmem>>
      %dma_wait3A_419 = arith.constant 0 : i32
      %dma_wait3A_420 = tpu.memref_slice %arg5[%dma_wait3A_415, %dma_wait3A_419] : memref<200x128xi32, #tpu.memory_space<vmem>> -> memref<1x128xi32, #tpu.memory_space<vmem>>
      %dma_wait3A_421 = tpu.memref_squeeze %dma_wait3A_420 : memref<1x128xi32, #tpu.memory_space<vmem>> -> memref<128xi32, #tpu.memory_space<vmem>>
      %dma_wait3A_422 = arith.constant 0 : i32
      %dma_wait3A_423 = arith.constant 0 : i32
      %dma_wait3A_424 = tpu.memref_slice %arg2[%dma_wait3A_422, %dma_wait3A_423] : memref<1000000x32xf32, #tpu.memory_space<hbm>> -> memref<1000000x32xf32, #tpu.memory_space<hbm>>
      tpu.wait_indirect_dma semaphore(%arg9 : memref<!tpu.dma_semaphore, #tpu.memory_space<semaphore_mem>>) src(%dma_wait3A_424 : memref<1000000x32xf32, #tpu.memory_space<hbm>>) dst(%dma_wait3A_418 : memref<128x32xf32, #tpu.memory_space<vmem>>)
      %dma_wait3A_425 = arith.constant 6 : i32
      %dma_wait3A_426 = arith.constant 768 : i32
      %dma_wait3A_427 = arith.constant 0 : i32
      %dma_wait3A_428 = tpu.memref_slice %arg7[%dma_wait3A_426, %dma_wait3A_427] : memref<1280x32xf32, #tpu.memory_space<vmem>> -> memref<128x32xf32, #tpu.memory_space<vmem>>
      %dma_wait3A_429 = arith.constant 0 : i32
      %dma_wait3A_430 = tpu.memref_slice %arg5[%dma_wait3A_425, %dma_wait3A_429] : memref<200x128xi32, #tpu.memory_space<vmem>> -> memref<1x128xi32, #tpu.memory_space<vmem>>
      %dma_wait3A_431 = tpu.memref_squeeze %dma_wait3A_430 : memref<1x128xi32, #tpu.memory_space<vmem>> -> memref<128xi32, #tpu.memory_space<vmem>>
      %dma_wait3A_432 = arith.constant 0 : i32
      %dma_wait3A_433 = arith.constant 0 : i32
      %dma_wait3A_434 = tpu.memref_slice %arg2[%dma_wait3A_432, %dma_wait3A_433] : memref<1000000x32xf32, #tpu.memory_space<hbm>> -> memref<1000000x32xf32, #tpu.memory_space<hbm>>
      tpu.wait_indirect_dma semaphore(%arg9 : memref<!tpu.dma_semaphore, #tpu.memory_space<semaphore_mem>>) src(%dma_wait3A_434 : memref<1000000x32xf32, #tpu.memory_space<hbm>>) dst(%dma_wait3A_428 : memref<128x32xf32, #tpu.memory_space<vmem>>)
      %dma_wait3A_435 = arith.constant 7 : i32
      %dma_wait3A_436 = arith.constant 896 : i32
      %dma_wait3A_437 = arith.constant 0 : i32
      %dma_wait3A_438 = tpu.memref_slice %arg7[%dma_wait3A_436, %dma_wait3A_437] : memref<1280x32xf32, #tpu.memory_space<vmem>> -> memref<128x32xf32, #tpu.memory_space<vmem>>
      %dma_wait3A_439 = arith.constant 0 : i32
      %dma_wait3A_440 = tpu.memref_slice %arg5[%dma_wait3A_435, %dma_wait3A_439] : memref<200x128xi32, #tpu.memory_space<vmem>> -> memref<1x128xi32, #tpu.memory_space<vmem>>
      %dma_wait3A_441 = tpu.memref_squeeze %dma_wait3A_440 : memref<1x128xi32, #tpu.memory_space<vmem>> -> memref<128xi32, #tpu.memory_space<vmem>>
      %dma_wait3A_442 = arith.constant 0 : i32
      %dma_wait3A_443 = arith.constant 0 : i32
      %dma_wait3A_444 = tpu.memref_slice %arg2[%dma_wait3A_442, %dma_wait3A_443] : memref<1000000x32xf32, #tpu.memory_space<hbm>> -> memref<1000000x32xf32, #tpu.memory_space<hbm>>
      tpu.wait_indirect_dma semaphore(%arg9 : memref<!tpu.dma_semaphore, #tpu.memory_space<semaphore_mem>>) src(%dma_wait3A_444 : memref<1000000x32xf32, #tpu.memory_space<hbm>>) dst(%dma_wait3A_438 : memref<128x32xf32, #tpu.memory_space<vmem>>)
      %dma_wait3A_445 = arith.constant 8 : i32
      %dma_wait3A_446 = arith.constant 1024 : i32
      %dma_wait3A_447 = arith.constant 0 : i32
      %dma_wait3A_448 = tpu.memref_slice %arg7[%dma_wait3A_446, %dma_wait3A_447] : memref<1280x32xf32, #tpu.memory_space<vmem>> -> memref<128x32xf32, #tpu.memory_space<vmem>>
      %dma_wait3A_449 = arith.constant 0 : i32
      %dma_wait3A_450 = tpu.memref_slice %arg5[%dma_wait3A_445, %dma_wait3A_449] : memref<200x128xi32, #tpu.memory_space<vmem>> -> memref<1x128xi32, #tpu.memory_space<vmem>>
      %dma_wait3A_451 = tpu.memref_squeeze %dma_wait3A_450 : memref<1x128xi32, #tpu.memory_space<vmem>> -> memref<128xi32, #tpu.memory_space<vmem>>
      %dma_wait3A_452 = arith.constant 0 : i32
      %dma_wait3A_453 = arith.constant 0 : i32
      %dma_wait3A_454 = tpu.memref_slice %arg2[%dma_wait3A_452, %dma_wait3A_453] : memref<1000000x32xf32, #tpu.memory_space<hbm>> -> memref<1000000x32xf32, #tpu.memory_space<hbm>>
      tpu.wait_indirect_dma semaphore(%arg9 : memref<!tpu.dma_semaphore, #tpu.memory_space<semaphore_mem>>) src(%dma_wait3A_454 : memref<1000000x32xf32, #tpu.memory_space<hbm>>) dst(%dma_wait3A_448 : memref<128x32xf32, #tpu.memory_space<vmem>>)
      %dma_wait3A_455 = arith.constant 9 : i32
      %dma_wait3A_456 = arith.constant 1152 : i32
      %dma_wait3A_457 = arith.constant 0 : i32
      %dma_wait3A_458 = tpu.memref_slice %arg7[%dma_wait3A_456, %dma_wait3A_457] : memref<1280x32xf32, #tpu.memory_space<vmem>> -> memref<128x32xf32, #tpu.memory_space<vmem>>
      %dma_wait3A_459 = arith.constant 0 : i32
      %dma_wait3A_460 = tpu.memref_slice %arg5[%dma_wait3A_455, %dma_wait3A_459] : memref<200x128xi32, #tpu.memory_space<vmem>> -> memref<1x128xi32, #tpu.memory_space<vmem>>
      %dma_wait3A_461 = tpu.memref_squeeze %dma_wait3A_460 : memref<1x128xi32, #tpu.memory_space<vmem>> -> memref<128xi32, #tpu.memory_space<vmem>>
      %dma_wait3A_462 = arith.constant 0 : i32
      %dma_wait3A_463 = arith.constant 0 : i32
      %dma_wait3A_464 = tpu.memref_slice %arg2[%dma_wait3A_462, %dma_wait3A_463] : memref<1000000x32xf32, #tpu.memory_space<hbm>> -> memref<1000000x32xf32, #tpu.memory_space<hbm>>
      tpu.wait_indirect_dma semaphore(%arg9 : memref<!tpu.dma_semaphore, #tpu.memory_space<semaphore_mem>>) src(%dma_wait3A_464 : memref<1000000x32xf32, #tpu.memory_space<hbm>>) dst(%dma_wait3A_458 : memref<128x32xf32, #tpu.memory_space<vmem>>)
      %add3A_465 = arith.constant 1 : i32
      %add3A_466 = arith.addi %add3A_117, %add3A_465 : i32
      %mul3A_467 = arith.constant 1280 : i32
      %mul3A_468 = arith.muli %add3A_466, %mul3A_467 : i32
      %add3A_469 = arith.addi %mul3A_2, %mul3A_468 : i32
      %dma_start3A_470 = arith.constant 0 : i32
      %dma_start3A_471 = tpu.memref_slice %arg4[%add3A_469, %dma_start3A_470] : memref<819200x32xf32, #tpu.memory_space<hbm>> -> memref<1280x32xf32, #tpu.memory_space<hbm>>
      %dma_start3A_472 = arith.constant 0 : i32
      %dma_start3A_473 = tpu.memref_slice %arg4[%add3A_469, %dma_start3A_472] : memref<819200x32xf32, #tpu.memory_space<hbm>> -> memref<1280x32xf32, #tpu.memory_space<hbm>>
      tpu.enqueue_dma source(%arg7 : memref<1280x32xf32, #tpu.memory_space<vmem>>) target(%dma_start3A_473 : memref<1280x32xf32, #tpu.memory_space<hbm>>) target_semaphore(%arg11 : memref<!tpu.dma_semaphore, #tpu.memory_space<semaphore_mem>>)
    }
    %scan3A_105 = arith.constant 10 : i32
    %dma_wait3A = arith.constant 0 : i32
    %dma_wait3A_106 = tpu.memref_slice %arg4[%mul3A_2, %dma_wait3A] : memref<819200x32xf32, #tpu.memory_space<hbm>> -> memref<1280x32xf32, #tpu.memory_space<hbm>>
    %dma_wait3A_107 = arith.constant 0 : i32
    %dma_wait3A_108 = tpu.memref_slice %arg4[%mul3A_2, %dma_wait3A_107] : memref<819200x32xf32, #tpu.memory_space<hbm>> -> memref<1280x32xf32, #tpu.memory_space<hbm>>
    tpu.wait_dma2 semaphore(%arg10 : memref<!tpu.dma_semaphore, #tpu.memory_space<semaphore_mem>>) src(%arg6 : memref<1280x32xf32, #tpu.memory_space<vmem>>) dst(%dma_wait3A_108 : memref<1280x32xf32, #tpu.memory_space<hbm>>)
    %dma_wait3A_109 = arith.constant 0 : i32
    %dma_wait3A_110 = tpu.memref_slice %arg4[%mul3A_2, %dma_wait3A_109] : memref<819200x32xf32, #tpu.memory_space<hbm>> -> memref<1280x32xf32, #tpu.memory_space<hbm>>
    %dma_wait3A_111 = arith.constant 0 : i32
    %dma_wait3A_112 = tpu.memref_slice %arg4[%mul3A_2, %dma_wait3A_111] : memref<819200x32xf32, #tpu.memory_space<hbm>> -> memref<1280x32xf32, #tpu.memory_space<hbm>>
    tpu.wait_dma2 semaphore(%arg11 : memref<!tpu.dma_semaphore, #tpu.memory_space<semaphore_mem>>) src(%arg7 : memref<1280x32xf32, #tpu.memory_space<vmem>>) dst(%dma_wait3A_112 : memref<1280x32xf32, #tpu.memory_space<hbm>>)
    return
  }
}

</mosaic_0001>

<sc_bundles>
// kernel: kernel.3.cloned.1.call-start
scs
__scs_entry_jumppad:
0x0: {  	(pc) =	sbr.rel $0x88, $3  }
0x1: {  	(tag) =	ssettag $0x0;
	lr =	simm.s32 $0x1  }
0x2: {  	[smem:$0x3F9F] =	sst lr;
	_ =	strace $0xD0000000  }
0x3: {  	_ = 	snop  }
0x4: {  	_ = 	snop  }
0x5: {  	_ = 	snop  }
0x6: {  	_ = 	snop  }
0x7: {  	_ = 	snop  }
__scs_overlays_trampoline_lowered:
0x8: {  	[smem:$0x3FAE] =	sst s0  }
0x9: {  	[smem:$0x3FAF] =	sst s1  }
0xa: {  	[smem:$0x3FB0] =	sst s2  }
0xb: {  	[smem:$0x3FB1] =	sst s3  }
0xc: {  	[smem:$0x3FB2] =	sst s4  }
0xd: {  	[smem:$0x3FB3] =	sst s5  }
0xe: {  	[smem:$0x3FB4] =	sst s6  }
0xf: {  	[smem:$0x3FB5] =	sst s7  }
0x10: {  	[smem:$0x3FB6] =	sst s8  }
0x11: {  	[smem:$0x3FB7] =	sst s9;
	s0 =	simm.s32 @!p0 $0x0  }
0x12: {  	s1 =	sld [smem:$0x3F9D];
	s0 =	simm.s32 @p0 $0x1  }
0x13: {  	[smem:$0x3FB8] =	sst s0;
	s0 =	simm.s32 @!p1 $0x0  }
0x14: {  	s2 =	sld [smem:$0x3F9C];
	s0 =	simm.s32 @p1 $0x1  }
0x15: {  	[smem:$0x3FB9] =	sst s0;
	s0 =	simm.s32 @!p2 $0x0  }
0x16: {  	s3 =	sld [smem:$0x3FDB];
	s0 =	simm.s32 @p2 $0x1  }
0x17: {  	s4 =	simm.s32 $0x1BF5;
	[smem:$0x3FBB] =	sst s0  }
0x18: {  	s0 =	sld [smem:$0x3F9E];
	_ =	swait.ge [sflag:s4], $0x0  }
0x19: {  	s7 =	sld [smem:$0x3F9F]  }
0x1a: {  	s8 =	sadd.s32 $0xFFFFE003, lr  }
0x1b: {  	s9 =	sadd.s32 $0xFFFFFEF7, lr;
	s5 =	simm.s32 $0xFFFFFFFF;
	p2 =	slt.u32 s8, $0xFFFFF086  }
0x1c: {  	p1 =	slt.u32 s9, $0xF7A;
	s5 =	simm.s32 @!p2 $0x0  }
0x1d: {  	s5 =	simm.s32 @p1 $0x1;
	p0 =	seq.s32 s7, s2  }
0x1e: {  	s7 =	smul.u32 @!p0 $0xF7A, s2;
	p2 =	seq.s32 @!p0 s5, $0x0  }
0x1f: {  	s9 =	smul.u32 $0xF7A, s1;
	s8 =	simm.s32 @!p0 $0x1BF5;
	p2 =	por !p2, p0  }
0x20: {  	[sflag:s8] =	ssyncset.s32 @!p0 $0xFFFFF086;
	s6 =	sadd.s32 @!p0 s3, s7;
	s7 =	simm.s32 @!p0 $0x108  }
0x21: {  	s3 =	sadd.s32 s3, s9;
	s6 =	sadd.s32 @!p0 $0x88, s6;
	s7 =	simm.s32 @p2 $0x1082  }
0x22: {  	[simem:s7], [sflag:s8] =	dma.local @!p0 [hbm:s6], $0xF7A  }
0x23: {  	s9 =	sor.u32 $0xD0000000, s2;
	s6 =	simm.s32 $0x108;
	_ =	swait.ge @!p0 [sflag:s8], $0x0  }
0x24: {  	s3 =	sadd.s32 $0x88, s3;
	s6 =	simm.s32 @!p1 $0x1082;
	[sflag:s4] =	ssyncset.s32 $0xFFFFF086  }
0x25: {  	[simem:s6], [sflag:s4] =	dma.local [hbm:s3], $0xF7A  }
0x26: {  	[smem:$0x3F9F] =	sst s1;
	(tag) =	ssettag s2;
	_ =	strace s9  }
0x27: {  	s1 =	sld [smem:$0x3FAF]  }
0x28: {  	s2 =	sld [smem:$0x3FB0]  }
0x29: {  	s4 =	sld [smem:$0x3FB2]  }
0x2a: {  	p0 =	seq.s32 s5, $0x0;
	s5 =	sld [smem:$0x3FB3]  }
0x2b: {  	s6 =	sld [smem:$0x3FB4]  }
0x2c: {  	s7 =	sld [smem:$0x3FB5]  }
0x2d: {  	s3 =	simm.s32 $0x108;
	s8 =	sld [smem:$0x3FB6]  }
0x2e: {  	s3 =	simm.s32 @!p0 $0x1082;
	s9 =	sld [smem:$0x3FB7]  }
0x2f: {  	lr =	sadd.s32 s0, s3;
	s0 =	sld [smem:$0x3FAE]  }
0x30: {  	s3 =	sld [smem:$0x3FB1]  }
0x31: {  	[smem:$0x3FBA] =	sst s10  }
0x32: {  	s10 =	sld [smem:$0x3FB8];
	_ =	sdelay $0x3  }
0x33: {  	p0 =	seq.s32 s10, $0x1;
	s10 =	sld [smem:$0x3FBA];
	_ =	sdelay $0x3  }
0x34: {  	[smem:$0x3FBA] =	sst s10  }
0x35: {  	s10 =	sld [smem:$0x3FB9];
	_ =	sdelay $0x3  }
0x36: {  	p1 =	seq.s32 s10, $0x1;
	s10 =	sld [smem:$0x3FBA];
	_ =	sdelay $0x3  }
0x37: {  	[smem:$0x3FBA] =	sst s10  }
0x38: {  	s10 =	sld [smem:$0x3FBB]  }
0x39: {  	_ = 	snop;
	(pc) =	sbr.ind lr, $3  }
0x3a: {  	_ = 	snop  }
0x3b: {  	_ = 	snop  }
0x3c: {  	p2 =	seq.s32 s10, $0x1;
	s10 =	sld [smem:$0x3FBA]  }
0x3d: {  	_ =	shalt  }
0x3e: {  	_ =	shalt  }
0x3f: {  	_ =	shalt  }
0x40: {  	_ =	shalt  }
0x41: {  	_ =	shalt  }
0x42: {  	_ =	shalt  }
0x43: {  	_ =	shalt  }
0x44: {  	_ =	shalt  }
0x45: {  	_ =	shalt  }
0x46: {  	_ =	shalt  }
0x47: {  	_ =	shalt  }
0x48: {  	_ =	shalt  }
0x49: {  	_ =	shalt  }
0x4a: {  	_ =	shalt  }
0x4b: {  	_ =	shalt  }
0x4c: {  	_ =	shalt  }
0x4d: {  	_ =	shalt  }
0x4e: {  	_ =	shalt  }
0x4f: {  	_ =	shalt  }
0x50: {  	_ =	shalt  }
0x51: {  	_ =	shalt  }
0x52: {  	_ =	shalt  }
0x53: {  	_ =	shalt  }
0x54: {  	_ =	shalt  }
0x55: {  	_ =	shalt  }
0x56: {  	_ =	shalt  }
0x57: {  	_ =	shalt  }
0x58: {  	_ =	shalt  }
0x59: {  	_ =	shalt  }
0x5a: {  	_ =	shalt  }
0x5b: {  	_ =	shalt  }
0x5c: {  	_ =	shalt  }
0x5d: {  	_ =	shalt  }
0x5e: {  	_ =	shalt  }
0x5f: {  	_ =	shalt  }
0x60: {  	_ =	shalt  }
0x61: {  	_ =	shalt  }
0x62: {  	_ =	shalt  }
0x63: {  	_ =	shalt  }
0x64: {  	_ =	shalt  }
0x65: {  	_ =	shalt  }
0x66: {  	_ =	shalt  }
0x67: {  	_ =	shalt  }
0x68: {  	_ =	shalt  }
0x69: {  	_ =	shalt  }
0x6a: {  	_ =	shalt  }
0x6b: {  	_ =	shalt  }
0x6c: {  	_ =	shalt  }
0x6d: {  	_ =	shalt  }
0x6e: {  	_ =	shalt  }
0x6f: {  	_ =	shalt  }
0x70: {  	_ =	shalt  }
0x71: {  	_ =	shalt  }
0x72: {  	_ =	shalt  }
0x73: {  	_ =	shalt  }
0x74: {  	_ =	shalt  }
0x75: {  	_ =	shalt  }
0x76: {  	_ =	shalt  }
0x77: {  	_ =	shalt  }
0x78: {  	_ =	shalt  }
0x79: {  	_ =	shalt  }
0x7a: {  	_ =	shalt  }
0x7b: {  	_ =	shalt  }
0x7c: {  	_ =	shalt  }
0x7d: {  	_ =	shalt  }
0x7e: {  	_ =	shalt  }
0x7f: {  	_ =	shalt  }
0x80: {  	_ =	shalt  }
0x81: {  	_ =	shalt  }
0x82: {  	_ =	shalt  }
0x83: {  	_ =	shalt  }
0x84: {  	_ =	shalt  }
0x85: {  	_ =	shalt  }
0x86: {  	_ =	shalt  }
0x87: {  	_ =	shalt  }
.Lfunc_end0:
.L_simem_size_0:
called_computation.1_lowered:
.L_overlay_start_0:
0x88: {  	s2 =	sld [smem:$0x3FD9]  }
0x89: {  	s3 =	sld [smem:$0x3FFE];
	_ =	sdelay $0x1  }
0x8a: {  	s1 =	srdreg.scid  }
0x8b: {  	s0 =	sand.u32 $0x1, s1  }
0x8c: {  	s17 =	sshll.u32 s0, $0xA;
	s2 =	sadd.s32 s3, s2  }
0x8d: {  	s2 =	sadd.s32 s2, s17  }
0x8e: {  	[smem:$0x3FC6] =	sst s2  }
0x8f: {  	_ = 	snop  }
0x90: {  	s2 =	sld [smem:$0x3FD0];
	(tm) =	ssettm $0x1  }
0x91: {  	s18 =	sld [smem:$0x3FFB];
	_ =	sdelay $0x3  }
0x92: {  	_ =	strace s18  }
0x93: {  	s3 =	sld [smem:$0x3FFC];
	_ =	sdelay $0x3  }
0x94: {  	_ =	strace s3  }
0x95: {  	s3 =	sld [smem:$0x3FFD];
	_ =	sdelay $0x3  }
0x96: {  	_ =	strace s3  }
0x97: {  	_ =	strace $0x8FFFFFFF  }
0x98: {  	s19 =	sld [smem:$0x3FDB];
	_ =	sdelay $0x1  }
0x99: {  	s4 =	simm.s32 $_scs_section_size  }
0x9a: {  	s5 =	simm.s32 $_size__tile_overlayer_lowered;
	s6 =	simm.s32 $_tile_overlayer_lowered  }
0x9b: {  	s22 =	simm.s32 $0x1BFF;
	s21 =	sshll.u32 s6, $0x1;
	s3 =	sadd.s32 s4, s19  }
0x9c: {  	s7 =	simm.s32 $0x0;
	s20 =	sshll.u32 s5, $0x1;
	s5 =	sadd.s32 s21, s3  }
0x9d: {  	[timem:s7], [sflag:s22] =	dma.local [hbm:s5], s20  }
0x9e: {  	_ =	swait.ge [sflag:s22], s20  }
0x9f: {  	s4 =	ssub.s32 $0x0, s20;
	[sflag:s22] =	ssyncset.done $0x0  }
0xa0: {  	[sflag:s22] =	ssyncadd.s32 s4;
	_ =	sdelay $0x1  }
0xa1: {  	s23 =	simm.s32 $0x1B8B  }
0xa2: {  	_ =	swait.ge [sflag:s23], $0x1  }
0xa3: {  	[sflag:s23] =	ssyncset.done $0x0  }
0xa4: {  	s25 =	simm.s32 $0x1B8E;
	s24 =	sld [smem:$0x3FFE];
	[sflag:s23] =	ssyncadd.s32 $0xFFFFFFFF  }
0xa5: {  	s26 =	simm.s32 $execute0_lowered;
	[smem:$0x3FD2] =	sst s25  }
0xa6: {  	s5 =	sshll.u32 s26, $0x1;
	_ =	strace $0x80000046;
	[dreg:$0x1] =	wrdreg $0xFFFFFFFF  }
0xa7: {  	s28 =	simm.s32 $_size_execute0_lowered;
	s3 =	sadd.s32 s3, s5;
	[dreg:$0x0] =	wrdreg $0x0  }
0xa8: {  	s5 =	sshll.u32 s28, $0x1;
	[dreg:$0x2] =	wrdreg s3  }
0xa9: {  	[dreg:$0x3] =	wrdreg s5  }
0xaa: {  	[dreg:$0x4] =	wrdreg $0xC0  }
0xab: {  	_ =	task [dreg:s7], $0x5FFFF  }
0xac: {  	[dreg:$0x1] =	wrdreg $0xFFFFFFFF  }
0xad: {  	[dreg:$0x0] =	wrdreg $0x60  }
0xae: {  	[dreg:$0x2] =	wrdreg s24  }
0xaf: {  	[dreg:$0x3] =	wrdreg s2  }
0xb0: {  	[dreg:$0x4] =	wrdreg $0x9  }
0xb1: {  	_ =	task.clear_ibuf [dreg:s7], $0x5FFFF;
	_ =	strace $0x90000046  }
0xb2: {  	s29 =	simm.s32 $0x9;
	_ =	strace $0x80000048  }
0xb3: {  	_ =	swait.ge [sflag:s29], $0x1  }
0xb4: {  	[sflag:s29] =	ssyncadd.s32 $0xFFFFFFFF  }
0xb5: {  	_ =	strace $0x90000048  }
0xb6: {  	_ =	sfence  }
0xb7: {  	s30 =	sld [smem:$0x0];
	_ =	sdelay $0x2  }
0xb8: {  	s31 =	sshll.u32 s1, $0xD;
	s1 =	sshrl.u32 s1, $0x2  }
0xb9: {  	s3 =	sand.u32 $0x4000, s31;
	s1 =	sadd.s32 s1, s30  }
0xba: {  	s0 =	sor.u32 s3, s0;
	s1 =	sshll.u32 s1, $0x11  }
0xbb: {  	s0 =	sor.u32 s1, s0  }
0xbc: {  	s0 =	sadd.s32 $0x8F2B, s0  }
0xbd: {  	[sflag:s0] =	ssyncadd.remote.s32 $0x1  }
0xbe: {  	_ =	sfence.sel $0xFFFF  }
0xbf: {  	[dreg:$0x0] =	wrdreg $0xFFFFFFFF;
	(pc) =	sbr.abs _section_cstart, $3  }
0xc0: {  	[dreg:$0x1] =	wrdreg $0xFFFFFFFF  }
0xc1: {  	_ =	task.clear_ibuf [dreg:s7], $0x2FFFF;
	_ =	strace $0x9FFFFFFF  }
0xc2: {  	(tm) =	ssettm $0x7FFFFFFF  }
0xc3: {  	_ =	shalt  }
tec
execute0_lowered:
.L_overlay_start_1:
0x0: {  	(tag) =	ssettag $0x1  }
0x1: {  	s0 =	rddreg [dreg:$0x0]  }
0x2: {  	s1 =	srdreg.scid;
	s8 =	stileid.u32  }
0x3: {  	s5 =	rddreg [dreg:$0x1];
	s2 =	simm.s32 $0x0;
	s18 =	simm.s32 $0x11400  }
0x4: {  	s19 =	simm.s32 $0x12400;
	s20 =	simm.s32 $0x13400;
	s21 =	simm.s32 $0x14400  }
0x5: {  	s22 =	simm.s32 $0x15400;
	s23 =	simm.s32 $0x16400;
	s24 =	simm.s32 $0x17400  }
0x6: {  	s25 =	simm.s32 $0x18400;
	s26 =	simm.s32 $0x19400;
	[smem:$0x7FF] =	sst s2  }
0x7: {  	s28 =	simm.s32 $0x1;
	_ =	strace $0x80000047;
	[dreg:$0x5] =	wrdreg s18  }
0x8: {  	s29 =	simm.s32 $0x2;
	s30 =	simm.s32 $0x3;
	[dreg:$0x6] =	wrdreg s19  }
0x9: {  	s31 =	simm.s32 $0x4;
	s1 =	sand.u32 $0x1, s1;
	[dreg:$0x7] =	wrdreg s20  }
0xa: {  	s3 =	sshll.u32 s8, $0x1;
	s6 =	smul.u32 $0xC800, s8;
	[dreg:$0x8] =	wrdreg s21  }
0xb: {  	s8 =	smul.u32 $0x32000, s8;
	s3 =	sor.u32 s1, s3;
	[dreg:$0x9] =	wrdreg s22  }
0xc: {  	s7 =	smul.u32 $0x6400, s1;
	s13 =	ssub.s32 $0x2, s1;
	[dreg:$0xa] =	wrdreg s23  }
0xd: {  	s1 =	smul.u32 $0x19000, s1;
	s21 =	simm.s32 $0xD400;
	[dreg:$0xb] =	wrdreg s24  }
0xe: {  	s22 =	simm.s32 $0x400;
	s23 =	simm.s32 $0xE400;
	[dreg:$0xc] =	wrdreg s25  }
0xf: {  	s24 =	simm.s32 $0x480;
	[dreg:$0xd] =	wrdreg s26;
	s25 =	simm.s32 $0xF400  }
0x10: {  	s26 =	simm.s32 $0x10400;
	s4 =	smul.u32 $0x6400, s3;
	s3 =	sadd.s32 $0xF42E00, s0  }
0x11: {  	s9 =	sshrl.u32 s13, $0x1;
	s8 =	sadd.s32 s8, s5;
	s6 =	sadd.s32 s7, s6  }
0x12: {  	s14 =	ssub.s32 s13, s9;
	s15 =	sadd.s32 s1, s8;
	s7 =	simm.s32 $0x80  }
0x13: {  	s8 =	simm.s32 $0x6400;
	s1 =	simm.s32 $0x0;
	s6 =	sshll.u32 s6, $0x2  }
0x14: {  	s4 =	sshrl.u32 s4, $0x3;
	[dreg:$0x3] =	wrdreg s15;
	s16 =	sadd.s32 s5, s6  }
0x15: {  	s0 =	sadd.s32 s4, s0;
	s5 =	smax.u32 s14, $0x1;
	s17 =	sadd.s32 $0x1400, s16  }
0x16: {  	s6 =	simm.s32 $0x5;
	s4 =	sadd.s32 $0xA00, s0;
	[dreg:$0x4] =	wrdreg s17  }
.LBB2_1:
0x17: {  	[tilespmem:s2], [sflag:$0x5] =	stream.linear.gather [hbm4b:s4+s2], $0x6400, $0x38;
	[tilespmem:$0x1A400] =	vst v63  }
0x18: {  	_ =	swait.ge [sflag:s6], $0x6400  }
0x19: {  	[sflag:s6] =	ssyncset.done $0x0  }
0x1a: {  	[sflag:s6] =	ssyncadd.s32 $0xFFFF9C00  }
0x1b: {  	[tilespmem:s8], [sflag:$0x1] =	stream.indirect.gather [hbm4b:s3+s7], $0x20, s2, s7, $0xb8;
	[tilespmem:$0x1A400] =	vst v63  }
0x1c: {  	s0 =	simm.s32 $0x7400  }
0x1d: {  	[tilespmem:s0], [sflag:$0x1] =	stream.indirect.gather [hbm4b:s3+s7], $0x20, s7, s7, $0xb8;
	[tilespmem:$0x1A400] =	vst v63  }
0x1e: {  	s14 =	simm.s32 $0x100;
	s9 =	simm.s32 $0x8400  }
0x1f: {  	[tilespmem:s9], [sflag:$0x1] =	stream.indirect.gather [hbm4b:s3+s7], $0x20, s14, s7, $0xb8;
	[tilespmem:$0x1A400] =	vst v63  }
0x20: {  	s15 =	simm.s32 $0x180;
	s16 =	simm.s32 $0x9400  }
0x21: {  	[tilespmem:s16], [sflag:$0x1] =	stream.indirect.gather [hbm4b:s3+s7], $0x20, s15, s7, $0xb8;
	[tilespmem:$0x1A400] =	vst v63  }
0x22: {  	s17 =	simm.s32 $0x200;
	s18 =	simm.s32 $0xA400  }
0x23: {  	[tilespmem:s18], [sflag:$0x1] =	stream.indirect.gather [hbm4b:s3+s7], $0x20, s17, s7, $0xb8;
	[tilespmem:$0x1A400] =	vst v63  }
0x24: {  	s19 =	simm.s32 $0x280;
	s20 =	simm.s32 $0xB400  }
0x25: {  	[tilespmem:s20], [sflag:$0x1] =	stream.indirect.gather [hbm4b:s3+s7], $0x20, s19, s7, $0xb8;
	[tilespmem:$0x1A400] =	vst v63  }
0x26: {  	s10 =	simm.s32 $0xC400;
	s9 =	simm.s32 $0x300  }
0x27: {  	[tilespmem:s10], [sflag:$0x1] =	stream.indirect.gather [hbm4b:s3+s7], $0x20, s9, s7, $0xb8;
	[tilespmem:$0x1A400] =	vst v63  }
0x28: {  	s11 =	simm.s32 $0x380  }
0x29: {  	[tilespmem:s21], [sflag:$0x1] =	stream.indirect.gather [hbm4b:s3+s7], $0x20, s11, s7, $0xb8;
	[tilespmem:$0x1A400] =	vst v63  }
0x2a: {  	p0 =	por $0x1, $0x1  }
0x2b: {  	[tilespmem:s23], [sflag:$0x1] =	stream.indirect.gather [hbm4b:s3+s7], $0x20, s22, s7, $0xb8;
	[tilespmem:$0x1A400] =	vst v63  }
0x2c: {  	s0 =	simm.s32 @!p0 $0x4  }
0x2d: {  	[tilespmem:s25], [sflag:$0x1] =	stream.indirect.gather [hbm4b:s3+s7], $0x20, s24, s7, $0xb8;
	[tilespmem:$0x1A400] =	vst v63  }
0x2e: {  	_ =	swait.ge @!p0 [sflag:s0], $0xA000  }
0x2f: {  	[sflag:s0] =	ssyncset.done @!p0 $0x0  }
0x30: {  	s12 =	simm.s32 $0x500;
	[sflag:s0] =	ssyncadd.s32 @!p0 $0xFFFF6000  }
0x31: {  	[tilespmem:s26], [sflag:$0x2] =	stream.indirect.gather [hbm4b:s3+s7], $0x20, s12, s7, $0xb8;
	[tilespmem:$0x1A400] =	vst v63  }
0x32: {  	s13 =	simm.s32 $0x580;
	s10 =	rddreg [dreg:$0x5]  }
0x33: {  	[tilespmem:s10], [sflag:$0x2] =	stream.indirect.gather [hbm4b:s3+s7], $0x20, s13, s7, $0xb8;
	[tilespmem:$0x1A400] =	vst v63  }
0x34: {  	s15 =	simm.s32 $0x600;
	s14 =	rddreg [dreg:$0x6]  }
0x35: {  	[tilespmem:s14], [sflag:$0x2] =	stream.indirect.gather [hbm4b:s3+s7], $0x20, s15, s7, $0xb8;
	[tilespmem:$0x1A400] =	vst v63  }
0x36: {  	s17 =	simm.s32 $0x680;
	s16 =	rddreg [dreg:$0x7]  }
0x37: {  	[tilespmem:s16], [sflag:$0x2] =	stream.indirect.gather [hbm4b:s3+s7], $0x20, s17, s7, $0xb8;
	[tilespmem:$0x1A400] =	vst v63  }
0x38: {  	s19 =	simm.s32 $0x700;
	s18 =	rddreg [dreg:$0x8]  }
0x39: {  	[tilespmem:s18], [sflag:$0x2] =	stream.indirect.gather [hbm4b:s3+s7], $0x20, s19, s7, $0xb8;
	[tilespmem:$0x1A400] =	vst v63  }
0x3a: {  	s11 =	simm.s32 $0x780;
	s20 =	rddreg [dreg:$0x9]  }
0x3b: {  	[tilespmem:s20], [sflag:$0x2] =	stream.indirect.gather [hbm4b:s3+s7], $0x20, s11, s7, $0xb8;
	[tilespmem:$0x1A400] =	vst v63  }
0x3c: {  	s12 =	rddreg [dreg:$0xa];
	s13 =	simm.s32 $0x800  }
0x3d: {  	[tilespmem:s12], [sflag:$0x2] =	stream.indirect.gather [hbm4b:s3+s7], $0x20, s13, s7, $0xb8;
	[tilespmem:$0x1A400] =	vst v63  }
0x3e: {  	s14 =	rddreg [dreg:$0xb];
	s15 =	simm.s32 $0x880  }
0x3f: {  	[tilespmem:s14], [sflag:$0x2] =	stream.indirect.gather [hbm4b:s3+s7], $0x20, s15, s7, $0xb8;
	[tilespmem:$0x1A400] =	vst v63  }
0x40: {  	s16 =	rddreg [dreg:$0xc];
	s17 =	simm.s32 $0x900  }
0x41: {  	[tilespmem:s16], [sflag:$0x2] =	stream.indirect.gather [hbm4b:s3+s7], $0x20, s17, s7, $0xb8;
	[tilespmem:$0x1A400] =	vst v63  }
0x42: {  	s18 =	rddreg [dreg:$0xd];
	s19 =	simm.s32 $0x980  }
0x43: {  	[tilespmem:s18], [sflag:$0x2] =	stream.indirect.gather [hbm4b:s3+s7], $0x20, s19, s7, $0xb8;
	[tilespmem:$0x1A400] =	vst v63  }
0x44: {  	_ =	swait.ge [sflag:s28], $0x1000  }
0x45: {  	[sflag:s28] =	ssyncset.done $0x0  }
0x46: {  	[sflag:s28] =	ssyncadd.s32 $0xFFFFF000  }
0x47: {  	_ =	swait.ge [sflag:s28], $0x1000  }
0x48: {  	[sflag:s28] =	ssyncset.done $0x0  }
0x49: {  	[sflag:s28] =	ssyncadd.s32 $0xFFFFF000  }
0x4a: {  	_ =	swait.ge [sflag:s28], $0x1000  }
0x4b: {  	[sflag:s28] =	ssyncset.done $0x0  }
0x4c: {  	[sflag:s28] =	ssyncadd.s32 $0xFFFFF000  }
0x4d: {  	_ =	swait.ge [sflag:s28], $0x1000  }
0x4e: {  	[sflag:s28] =	ssyncset.done $0x0  }
0x4f: {  	[sflag:s28] =	ssyncadd.s32 $0xFFFFF000  }
0x50: {  	_ =	swait.ge [sflag:s28], $0x1000  }
0x51: {  	[sflag:s28] =	ssyncset.done $0x0  }
0x52: {  	[sflag:s28] =	ssyncadd.s32 $0xFFFFF000  }
0x53: {  	_ =	swait.ge [sflag:s28], $0x1000  }
0x54: {  	[sflag:s28] =	ssyncset.done $0x0  }
0x55: {  	[sflag:s28] =	ssyncadd.s32 $0xFFFFF000  }
0x56: {  	_ =	swait.ge [sflag:s28], $0x1000  }
0x57: {  	[sflag:s28] =	ssyncset.done $0x0  }
0x58: {  	[sflag:s28] =	ssyncadd.s32 $0xFFFFF000  }
0x59: {  	_ =	swait.ge [sflag:s28], $0x1000  }
0x5a: {  	[sflag:s28] =	ssyncset.done $0x0  }
0x5b: {  	[sflag:s28] =	ssyncadd.s32 $0xFFFFF000  }
0x5c: {  	_ =	swait.ge [sflag:s28], $0x1000  }
0x5d: {  	[sflag:s28] =	ssyncset.done $0x0  }
0x5e: {  	[sflag:s28] =	ssyncadd.s32 $0xFFFFF000  }
0x5f: {  	_ =	swait.ge [sflag:s28], $0x1000  }
0x60: {  	p0 =	por $0x0, $0x0;
	s20 =	rddreg [dreg:$0x3];
	[sflag:s28] =	ssyncset.done $0x0  }
0x61: {  	s9 =	simm.s32 @!p0 $0x3;
	[sflag:s28] =	ssyncadd.s32 $0xFFFFF000;
	s0 =	sadd.s32 $0x0, s20  }
0x62: {  	[hbm4b:s0+s2] =	stream.linear.scatter [tilespmem:s8], [sflag:$0x3], $0xA000, $0x38;
	[tilespmem:$0x1A400] =	vst v63  }
0x63: {  	_ =	swait.ge @!p0 [sflag:s9], $0xA000  }
0x64: {  	s10 =	simm.s32 @!p0 $0x80;
	[sflag:s9] =	ssyncset.done @!p0 $0x0  }
0x65: {  	s11 =	simm.s32 @!p0 $0x6400;
	s0 =	simm.s32 @!p0 $0xA00;
	[sflag:s9] =	ssyncadd.s32 @!p0 $0xFFFF6000  }
0x66: {  	[tilespmem:s11], [sflag:$0x1] =	stream.indirect.gather @!p0 [hbm4b:s3+s10], $0x20, s0, s10, $0xb8;
	[tilespmem:$0x1A400] =	vst v63  }
0x67: {  	s9 =	simm.s32 @!p0 $0x7400;
	s0 =	simm.s32 @!p0 $0xA80  }
0x68: {  	[tilespmem:s9], [sflag:$0x1] =	stream.indirect.gather @!p0 [hbm4b:s3+s10], $0x20, s0, s10, $0xb8;
	[tilespmem:$0x1A400] =	vst v63  }
0x69: {  	s0 =	simm.s32 @!p0 $0xB00;
	s9 =	simm.s32 @!p0 $0x8400  }
0x6a: {  	[tilespmem:s9], [sflag:$0x1] =	stream.indirect.gather @!p0 [hbm4b:s3+s10], $0x20, s0, s10, $0xb8;
	[tilespmem:$0x1A400] =	vst v63  }
0x6b: {  	s0 =	simm.s32 @!p0 $0xB80;
	s9 =	simm.s32 @!p0 $0x9400  }
0x6c: {  	[tilespmem:s9], [sflag:$0x1] =	stream.indirect.gather @!p0 [hbm4b:s3+s10], $0x20, s0, s10, $0xb8;
	[tilespmem:$0x1A400] =	vst v63  }
0x6d: {  	s0 =	simm.s32 @!p0 $0xC00;
	s9 =	simm.s32 @!p0 $0xA400  }
0x6e: {  	[tilespmem:s9], [sflag:$0x1] =	stream.indirect.gather @!p0 [hbm4b:s3+s10], $0x20, s0, s10, $0xb8;
	[tilespmem:$0x1A400] =	vst v63  }
0x6f: {  	s0 =	simm.s32 @!p0 $0xC80;
	s9 =	simm.s32 @!p0 $0xB400  }
0x70: {  	[tilespmem:s9], [sflag:$0x1] =	stream.indirect.gather @!p0 [hbm4b:s3+s10], $0x20, s0, s10, $0xb8;
	[tilespmem:$0x1A400] =	vst v63  }
0x71: {  	s0 =	simm.s32 @!p0 $0xD00;
	s9 =	simm.s32 @!p0 $0xC400  }
0x72: {  	[tilespmem:s9], [sflag:$0x1] =	stream.indirect.gather @!p0 [hbm4b:s3+s10], $0x20, s0, s10, $0xb8;
	[tilespmem:$0x1A400] =	vst v63  }
0x73: {  	s0 =	simm.s32 @!p0 $0xD80;
	s9 =	simm.s32 @!p0 $0xD400  }
0x74: {  	[tilespmem:s9], [sflag:$0x1] =	stream.indirect.gather @!p0 [hbm4b:s3+s10], $0x20, s0, s10, $0xb8;
	[tilespmem:$0x1A400] =	vst v63  }
0x75: {  	s0 =	simm.s32 @!p0 $0xE00;
	s9 =	simm.s32 @!p0 $0xE400  }
0x76: {  	[tilespmem:s9], [sflag:$0x1] =	stream.indirect.gather @!p0 [hbm4b:s3+s10], $0x20, s0, s10, $0xb8;
	[tilespmem:$0x1A400] =	vst v63  }
0x77: {  	s0 =	simm.s32 @!p0 $0xE80;
	s9 =	simm.s32 @!p0 $0xF400  }
0x78: {  	[tilespmem:s9], [sflag:$0x1] =	stream.indirect.gather @!p0 [hbm4b:s3+s10], $0x20, s0, s10, $0xb8;
	[tilespmem:$0x1A400] =	vst v63  }
0x79: {  	_ =	swait.ge [sflag:s29], $0x1000  }
0x7a: {  	[sflag:s29] =	ssyncset.done $0x0  }
0x7b: {  	[sflag:s29] =	ssyncadd.s32 $0xFFFFF000  }
0x7c: {  	_ =	swait.ge [sflag:s29], $0x1000  }
0x7d: {  	[sflag:s29] =	ssyncset.done $0x0  }
0x7e: {  	[sflag:s29] =	ssyncadd.s32 $0xFFFFF000  }
0x7f: {  	_ =	swait.ge [sflag:s29], $0x1000  }
0x80: {  	[sflag:s29] =	ssyncset.done $0x0  }
0x81: {  	[sflag:s29] =	ssyncadd.s32 $0xFFFFF000  }
0x82: {  	_ =	swait.ge [sflag:s29], $0x1000  }
0x83: {  	[sflag:s29] =	ssyncset.done $0x0  }
0x84: {  	[sflag:s29] =	ssyncadd.s32 $0xFFFFF000  }
0x85: {  	_ =	swait.ge [sflag:s29], $0x1000  }
0x86: {  	[sflag:s29] =	ssyncset.done $0x0  }
0x87: {  	[sflag:s29] =	ssyncadd.s32 $0xFFFFF000  }
0x88: {  	_ =	swait.ge [sflag:s29], $0x1000  }
0x89: {  	[sflag:s29] =	ssyncset.done $0x0  }
0x8a: {  	[sflag:s29] =	ssyncadd.s32 $0xFFFFF000  }
0x8b: {  	_ =	swait.ge [sflag:s29], $0x1000  }
0x8c: {  	[sflag:s29] =	ssyncset.done $0x0  }
0x8d: {  	[sflag:s29] =	ssyncadd.s32 $0xFFFFF000  }
0x8e: {  	_ =	swait.ge [sflag:s29], $0x1000  }
0x8f: {  	[sflag:s29] =	ssyncset.done $0x0  }
0x90: {  	[sflag:s29] =	ssyncadd.s32 $0xFFFFF000  }
0x91: {  	_ =	swait.ge [sflag:s29], $0x1000  }
0x92: {  	[sflag:s29] =	ssyncset.done $0x0  }
0x93: {  	[sflag:s29] =	ssyncadd.s32 $0xFFFFF000  }
0x94: {  	p1 =	por $0x0, $0x0;
	_ =	swait.ge [sflag:s29], $0x1000  }
0x95: {  	s0 =	simm.s32 $0x2800;
	s9 =	simm.s32 $0x5000;
	[sflag:s29] =	ssyncset.done $0x0  }
0x96: {  	s10 =	simm.s32 $0x0;
	s11 =	rddreg [dreg:$0x4];
	[sflag:s29] =	ssyncadd.s32 $0xFFFFF000  }
.LBB2_2:
0x97: {  	s12 =	simm.s32 @!p1 $0x4;
	s11 =	sadd.s32 s10, s11  }
0x98: {  	[hbm4b:s11+s2] =	stream.linear.scatter [tilespmem:s26], [sflag:$0x4], $0xA000, $0x38;
	[tilespmem:$0x1A400] =	vst v63  }
0x99: {  	s10 =	smov.u32 s0;
	_ =	swait.ge @!p1 [sflag:s12], $0xA000  }
0x9a: {  	s11 =	sshra.s32 s10, $0x2;
	[sflag:s12] =	ssyncset.done @!p1 $0x0  }
0x9b: {  	s16 =	sadd.s32 $0x500, s11;
	[sflag:s12] =	ssyncadd.s32 @!p1 $0xFFFF6000  }
0x9c: {  	[tilespmem:s26], [sflag:$0x2] =	stream.indirect.gather [hbm4b:s3+s7], $0x20, s16, s7, $0xb8;
	[tilespmem:$0x1A400] =	vst v63  }
0x9d: {  	s17 =	sadd.s32 $0x580, s11;
	s14 =	rddreg [dreg:$0x5]  }
0x9e: {  	[tilespmem:s14], [sflag:$0x2] =	stream.indirect.gather [hbm4b:s3+s7], $0x20, s17, s7, $0xb8;
	[tilespmem:$0x1A400] =	vst v63  }
0x9f: {  	s19 =	sadd.s32 $0x600, s11;
	s18 =	rddreg [dreg:$0x6]  }
0xa0: {  	[tilespmem:s18], [sflag:$0x2] =	stream.indirect.gather [hbm4b:s3+s7], $0x20, s19, s7, $0xb8;
	[tilespmem:$0x1A400] =	vst v63  }
0xa1: {  	s15 =	sadd.s32 $0x680, s11;
	s20 =	rddreg [dreg:$0x7]  }
0xa2: {  	[tilespmem:s20], [sflag:$0x2] =	stream.indirect.gather [hbm4b:s3+s7], $0x20, s15, s7, $0xb8;
	[tilespmem:$0x1A400] =	vst v63  }
0xa3: {  	s16 =	rddreg [dreg:$0x8];
	s17 =	sadd.s32 $0x700, s11  }
0xa4: {  	[tilespmem:s16], [sflag:$0x2] =	stream.indirect.gather [hbm4b:s3+s7], $0x20, s17, s7, $0xb8;
	[tilespmem:$0x1A400] =	vst v63  }
0xa5: {  	s18 =	rddreg [dreg:$0x9];
	s19 =	sadd.s32 $0x780, s11  }
0xa6: {  	[tilespmem:s18], [sflag:$0x2] =	stream.indirect.gather [hbm4b:s3+s7], $0x20, s19, s7, $0xb8;
	[tilespmem:$0x1A400] =	vst v63  }
0xa7: {  	s14 =	sadd.s32 $0x800, s11;
	s20 =	rddreg [dreg:$0xa]  }
0xa8: {  	[tilespmem:s20], [sflag:$0x2] =	stream.indirect.gather [hbm4b:s3+s7], $0x20, s14, s7, $0xb8;
	[tilespmem:$0x1A400] =	vst v63  }
0xa9: {  	s15 =	rddreg [dreg:$0xb];
	s16 =	sadd.s32 $0x880, s11  }
0xaa: {  	[tilespmem:s15], [sflag:$0x2] =	stream.indirect.gather [hbm4b:s3+s7], $0x20, s16, s7, $0xb8;
	[tilespmem:$0x1A400] =	vst v63  }
0xab: {  	s17 =	rddreg [dreg:$0xc];
	s18 =	sadd.s32 $0x900, s11  }
0xac: {  	[tilespmem:s17], [sflag:$0x2] =	stream.indirect.gather [hbm4b:s3+s7], $0x20, s18, s7, $0xb8;
	[tilespmem:$0x1A400] =	vst v63  }
0xad: {  	s19 =	rddreg [dreg:$0xd];
	s11 =	sadd.s32 $0x980, s11  }
0xae: {  	[tilespmem:s19], [sflag:$0x2] =	stream.indirect.gather [hbm4b:s3+s7], $0x20, s11, s7, $0xb8;
	[tilespmem:$0x1A400] =	vst v63  }
0xaf: {  	_ =	swait.ge [sflag:s28], $0x1000  }
0xb0: {  	[sflag:s28] =	ssyncset.done $0x0  }
0xb1: {  	[sflag:s28] =	ssyncadd.s32 $0xFFFFF000  }
0xb2: {  	_ =	swait.ge [sflag:s28], $0x1000  }
0xb3: {  	[sflag:s28] =	ssyncset.done $0x0  }
0xb4: {  	[sflag:s28] =	ssyncadd.s32 $0xFFFFF000  }
0xb5: {  	_ =	swait.ge [sflag:s28], $0x1000  }
0xb6: {  	[sflag:s28] =	ssyncset.done $0x0  }
0xb7: {  	[sflag:s28] =	ssyncadd.s32 $0xFFFFF000  }
0xb8: {  	_ =	swait.ge [sflag:s28], $0x1000  }
0xb9: {  	[sflag:s28] =	ssyncset.done $0x0  }
0xba: {  	[sflag:s28] =	ssyncadd.s32 $0xFFFFF000  }
0xbb: {  	_ =	swait.ge [sflag:s28], $0x1000  }
0xbc: {  	[sflag:s28] =	ssyncset.done $0x0  }
0xbd: {  	[sflag:s28] =	ssyncadd.s32 $0xFFFFF000  }
0xbe: {  	_ =	swait.ge [sflag:s28], $0x1000  }
0xbf: {  	[sflag:s28] =	ssyncset.done $0x0  }
0xc0: {  	[sflag:s28] =	ssyncadd.s32 $0xFFFFF000  }
0xc1: {  	_ =	swait.ge [sflag:s28], $0x1000  }
0xc2: {  	[sflag:s28] =	ssyncset.done $0x0  }
0xc3: {  	[sflag:s28] =	ssyncadd.s32 $0xFFFFF000  }
0xc4: {  	_ =	swait.ge [sflag:s28], $0x1000  }
0xc5: {  	[sflag:s28] =	ssyncset.done $0x0  }
0xc6: {  	[sflag:s28] =	ssyncadd.s32 $0xFFFFF000  }
0xc7: {  	_ =	swait.ge [sflag:s28], $0x1000  }
0xc8: {  	[sflag:s28] =	ssyncset.done $0x0  }
0xc9: {  	[sflag:s28] =	ssyncadd.s32 $0xFFFFF000  }
0xca: {  	s13 =	smov.u32 s9;
	_ =	swait.ge [sflag:s28], $0x1000  }
0xcb: {  	p1 =	seq.s32 s10, $0x16800;
	s20 =	rddreg [dreg:$0x3];
	[sflag:s28] =	ssyncset.done $0x0  }
0xcc: {  	s12 =	simm.s32 @!p1 $0x3;
	[sflag:s28] =	ssyncadd.s32 $0xFFFFF000;
	s11 =	sadd.s32 s10, s20  }
0xcd: {  	[hbm4b:s11+s2] =	stream.linear.scatter [tilespmem:s8], [sflag:$0x3], $0xA000, $0x38;
	[tilespmem:$0x1A400] =	vst v63  }
0xce: {  	s0 =	smov.u32 s13;
	_ =	swait.ge @!p1 [sflag:s12], $0xA000  }
0xcf: {  	s13 =	sshra.s32 @!p1 s10, $0x2;
	s15 =	simm.s32 @!p1 $0x80;
	[sflag:s12] =	ssyncset.done @!p1 $0x0  }
0xd0: {  	s16 =	simm.s32 @!p1 $0x6400;
	s11 =	sadd.s32 @!p1 $0xA00, s13;
	[sflag:s12] =	ssyncadd.s32 @!p1 $0xFFFF6000  }
0xd1: {  	[tilespmem:s16], [sflag:$0x1] =	stream.indirect.gather @!p1 [hbm4b:s3+s15], $0x20, s11, s15, $0xb8;
	[tilespmem:$0x1A400] =	vst v63  }
0xd2: {  	s14 =	sadd.s32 @!p1 $0xA80, s13;
	s12 =	simm.s32 @!p1 $0x7400  }
0xd3: {  	[tilespmem:s12], [sflag:$0x1] =	stream.indirect.gather @!p1 [hbm4b:s3+s15], $0x20, s14, s15, $0xb8;
	[tilespmem:$0x1A400] =	vst v63  }
0xd4: {  	s17 =	sadd.s32 @!p1 $0xB00, s13;
	s11 =	simm.s32 @!p1 $0x8400  }
0xd5: {  	[tilespmem:s11], [sflag:$0x1] =	stream.indirect.gather @!p1 [hbm4b:s3+s15], $0x20, s17, s15, $0xb8;
	[tilespmem:$0x1A400] =	vst v63  }
0xd6: {  	s16 =	sadd.s32 @!p1 $0xB80, s13;
	s12 =	simm.s32 @!p1 $0x9400  }
0xd7: {  	[tilespmem:s12], [sflag:$0x1] =	stream.indirect.gather @!p1 [hbm4b:s3+s15], $0x20, s16, s15, $0xb8;
	[tilespmem:$0x1A400] =	vst v63  }
0xd8: {  	s18 =	sadd.s32 @!p1 $0xC00, s13;
	s11 =	simm.s32 @!p1 $0xA400  }
0xd9: {  	[tilespmem:s11], [sflag:$0x1] =	stream.indirect.gather @!p1 [hbm4b:s3+s15], $0x20, s18, s15, $0xb8;
	[tilespmem:$0x1A400] =	vst v63  }
0xda: {  	s14 =	sadd.s32 @!p1 $0xC80, s13;
	s12 =	simm.s32 @!p1 $0xB400  }
0xdb: {  	[tilespmem:s12], [sflag:$0x1] =	stream.indirect.gather @!p1 [hbm4b:s3+s15], $0x20, s14, s15, $0xb8;
	[tilespmem:$0x1A400] =	vst v63  }
0xdc: {  	s19 =	sadd.s32 @!p1 $0xD00, s13;
	s11 =	simm.s32 @!p1 $0xC400  }
0xdd: {  	[tilespmem:s11], [sflag:$0x1] =	stream.indirect.gather @!p1 [hbm4b:s3+s15], $0x20, s19, s15, $0xb8;
	[tilespmem:$0x1A400] =	vst v63  }
0xde: {  	s17 =	sadd.s32 @!p1 $0xD80, s13;
	s12 =	simm.s32 @!p1 $0xD400  }
0xdf: {  	[tilespmem:s12], [sflag:$0x1] =	stream.indirect.gather @!p1 [hbm4b:s3+s15], $0x20, s17, s15, $0xb8;
	[tilespmem:$0x1A400] =	vst v63  }
0xe0: {  	s20 =	sadd.s32 @!p1 $0xE00, s13;
	s11 =	simm.s32 @!p1 $0xE400  }
0xe1: {  	[tilespmem:s11], [sflag:$0x1] =	stream.indirect.gather @!p1 [hbm4b:s3+s15], $0x20, s20, s15, $0xb8;
	[tilespmem:$0x1A400] =	vst v63  }
0xe2: {  	s13 =	sadd.s32 @!p1 $0xE80, s13;
	s12 =	simm.s32 @!p1 $0xF400  }
0xe3: {  	[tilespmem:s12], [sflag:$0x1] =	stream.indirect.gather @!p1 [hbm4b:s3+s15], $0x20, s13, s15, $0xb8;
	[tilespmem:$0x1A400] =	vst v63  }
0xe4: {  	_ =	swait.ge [sflag:s29], $0x1000  }
0xe5: {  	[sflag:s29] =	ssyncset.done $0x0  }
0xe6: {  	[sflag:s29] =	ssyncadd.s32 $0xFFFFF000  }
0xe7: {  	_ =	swait.ge [sflag:s29], $0x1000  }
0xe8: {  	[sflag:s29] =	ssyncset.done $0x0  }
0xe9: {  	[sflag:s29] =	ssyncadd.s32 $0xFFFFF000  }
0xea: {  	_ =	swait.ge [sflag:s29], $0x1000  }
0xeb: {  	[sflag:s29] =	ssyncset.done $0x0  }
0xec: {  	[sflag:s29] =	ssyncadd.s32 $0xFFFFF000  }
0xed: {  	_ =	swait.ge [sflag:s29], $0x1000  }
0xee: {  	[sflag:s29] =	ssyncset.done $0x0  }
0xef: {  	[sflag:s29] =	ssyncadd.s32 $0xFFFFF000  }
0xf0: {  	_ =	swait.ge [sflag:s29], $0x1000  }
0xf1: {  	[sflag:s29] =	ssyncset.done $0x0  }
0xf2: {  	[sflag:s29] =	ssyncadd.s32 $0xFFFFF000  }
0xf3: {  	_ =	swait.ge [sflag:s29], $0x1000  }
0xf4: {  	[sflag:s29] =	ssyncset.done $0x0  }
0xf5: {  	[sflag:s29] =	ssyncadd.s32 $0xFFFFF000  }
0xf6: {  	_ =	swait.ge [sflag:s29], $0x1000  }
0xf7: {  	[sflag:s29] =	ssyncset.done $0x0  }
0xf8: {  	[sflag:s29] =	ssyncadd.s32 $0xFFFFF000  }
0xf9: {  	_ =	swait.ge [sflag:s29], $0x1000  }
0xfa: {  	[sflag:s29] =	ssyncset.done $0x0  }
0xfb: {  	s9 =	sadd.s32 $0x2800, s9;
	[sflag:s29] =	ssyncadd.s32 $0xFFFFF000  }
0xfc: {  	p0 =	sne.s32 s9, $0x19000;
	_ =	swait.ge [sflag:s29], $0x1000  }
.Ltmp0:
0xfd: {  	[sflag:s29] =	ssyncset.done $0x0;
	(pc) =	sbr.rel @p0 .LBB2_2-.Ltmp0, $4  }
0xfe: {  	[sflag:s29] =	ssyncadd.s32 $0xFFFFF000  }
0xff: {  	_ =	swait.ge [sflag:s29], $0x1000  }
0x100: {  	[sflag:s29] =	ssyncset.done $0x0  }
0x101: {  	p1 =	seq.s32 s0, $0x0;
	s11 =	rddreg [dreg:$0x4];
	[sflag:s29] =	ssyncadd.s32 $0xFFFFF000  }
0x102: {  	s9 =	simm.s32 @!p1 $0x4;
	s10 =	sadd.s32 s10, s11  }
0x103: {  	[hbm4b:s10+s2] =	stream.linear.scatter [tilespmem:s26], [sflag:$0x4], $0xA000, $0x38;
	[tilespmem:$0x1A400] =	vst v63  }
0x104: {  	_ =	swait.ge @!p1 [sflag:s9], $0xA000  }
0x105: {  	s10 =	sshra.s32 s0, $0x2;
	[sflag:s9] =	ssyncset.done @!p1 $0x0  }
0x106: {  	s16 =	sadd.s32 $0x500, s10;
	[sflag:s9] =	ssyncadd.s32 @!p1 $0xFFFF6000  }
0x107: {  	[tilespmem:s26], [sflag:$0x2] =	stream.indirect.gather [hbm4b:s3+s7], $0x20, s16, s7, $0xb8;
	[tilespmem:$0x1A400] =	vst v63  }
0x108: {  	s17 =	sadd.s32 $0x580, s10;
	s12 =	rddreg [dreg:$0x5]  }
0x109: {  	[tilespmem:s12], [sflag:$0x2] =	stream.indirect.gather [hbm4b:s3+s7], $0x20, s17, s7, $0xb8;
	[tilespmem:$0x1A400] =	vst v63  }
0x10a: {  	s19 =	sadd.s32 $0x600, s10;
	s18 =	rddreg [dreg:$0x6]  }
0x10b: {  	[tilespmem:s18], [sflag:$0x2] =	stream.indirect.gather [hbm4b:s3+s7], $0x20, s19, s7, $0xb8;
	[tilespmem:$0x1A400] =	vst v63  }
0x10c: {  	s13 =	sadd.s32 $0x680, s10;
	s20 =	rddreg [dreg:$0x7]  }
0x10d: {  	[tilespmem:s20], [sflag:$0x2] =	stream.indirect.gather [hbm4b:s3+s7], $0x20, s13, s7, $0xb8;
	[tilespmem:$0x1A400] =	vst v63  }
0x10e: {  	s15 =	sadd.s32 $0x700, s10;
	s14 =	rddreg [dreg:$0x8]  }
0x10f: {  	[tilespmem:s14], [sflag:$0x2] =	stream.indirect.gather [hbm4b:s3+s7], $0x20, s15, s7, $0xb8;
	[tilespmem:$0x1A400] =	vst v63  }
0x110: {  	s16 =	rddreg [dreg:$0x9];
	s17 =	sadd.s32 $0x780, s10  }
0x111: {  	[tilespmem:s16], [sflag:$0x2] =	stream.indirect.gather [hbm4b:s3+s7], $0x20, s17, s7, $0xb8;
	[tilespmem:$0x1A400] =	vst v63  }
0x112: {  	s18 =	rddreg [dreg:$0xa];
	s19 =	sadd.s32 $0x800, s10  }
0x113: {  	[tilespmem:s18], [sflag:$0x2] =	stream.indirect.gather [hbm4b:s3+s7], $0x20, s19, s7, $0xb8;
	[tilespmem:$0x1A400] =	vst v63  }
0x114: {  	s20 =	rddreg [dreg:$0xb];
	s13 =	sadd.s32 $0x880, s10  }
0x115: {  	[tilespmem:s20], [sflag:$0x2] =	stream.indirect.gather [hbm4b:s3+s7], $0x20, s13, s7, $0xb8;
	[tilespmem:$0x1A400] =	vst v63  }
0x116: {  	s14 =	rddreg [dreg:$0xc];
	s15 =	sadd.s32 $0x900, s10  }
0x117: {  	[tilespmem:s14], [sflag:$0x2] =	stream.indirect.gather [hbm4b:s3+s7], $0x20, s15, s7, $0xb8;
	[tilespmem:$0x1A400] =	vst v63  }
0x118: {  	s16 =	rddreg [dreg:$0xd];
	s17 =	sadd.s32 $0x980, s10  }
0x119: {  	[tilespmem:s16], [sflag:$0x2] =	stream.indirect.gather [hbm4b:s3+s7], $0x20, s17, s7, $0xb8;
	[tilespmem:$0x1A400] =	vst v63  }
0x11a: {  	_ =	swait.ge [sflag:s28], $0x1000  }
0x11b: {  	[sflag:s28] =	ssyncset.done $0x0  }
0x11c: {  	[sflag:s28] =	ssyncadd.s32 $0xFFFFF000  }
0x11d: {  	_ =	swait.ge [sflag:s28], $0x1000  }
0x11e: {  	[sflag:s28] =	ssyncset.done $0x0  }
0x11f: {  	[sflag:s28] =	ssyncadd.s32 $0xFFFFF000  }
0x120: {  	_ =	swait.ge [sflag:s28], $0x1000  }
0x121: {  	[sflag:s28] =	ssyncset.done $0x0  }
0x122: {  	[sflag:s28] =	ssyncadd.s32 $0xFFFFF000  }
0x123: {  	_ =	swait.ge [sflag:s28], $0x1000  }
0x124: {  	[sflag:s28] =	ssyncset.done $0x0  }
0x125: {  	[sflag:s28] =	ssyncadd.s32 $0xFFFFF000  }
0x126: {  	_ =	swait.ge [sflag:s28], $0x1000  }
0x127: {  	[sflag:s28] =	ssyncset.done $0x0  }
0x128: {  	[sflag:s28] =	ssyncadd.s32 $0xFFFFF000  }
0x129: {  	_ =	swait.ge [sflag:s28], $0x1000  }
0x12a: {  	[sflag:s28] =	ssyncset.done $0x0  }
0x12b: {  	[sflag:s28] =	ssyncadd.s32 $0xFFFFF000  }
0x12c: {  	_ =	swait.ge [sflag:s28], $0x1000  }
0x12d: {  	[sflag:s28] =	ssyncset.done $0x0  }
0x12e: {  	[sflag:s28] =	ssyncadd.s32 $0xFFFFF000  }
0x12f: {  	_ =	swait.ge [sflag:s28], $0x1000  }
0x130: {  	[sflag:s28] =	ssyncset.done $0x0  }
0x131: {  	[sflag:s28] =	ssyncadd.s32 $0xFFFFF000  }
0x132: {  	_ =	swait.ge [sflag:s28], $0x1000  }
0x133: {  	[sflag:s28] =	ssyncset.done $0x0  }
0x134: {  	[sflag:s28] =	ssyncadd.s32 $0xFFFFF000  }
0x135: {  	_ =	swait.ge [sflag:s28], $0x1000  }
0x136: {  	p0 =	seq.s32 s0, $0x16800;
	s18 =	rddreg [dreg:$0x3];
	[sflag:s28] =	ssyncset.done $0x0  }
0x137: {  	s10 =	simm.s32 @!p0 $0x3;
	[sflag:s28] =	ssyncadd.s32 $0xFFFFF000;
	s9 =	sadd.s32 s0, s18  }
0x138: {  	[hbm4b:s9+s2] =	stream.linear.scatter [tilespmem:s8], [sflag:$0x3], $0xA000, $0x38;
	[tilespmem:$0x1A400] =	vst v63  }
0x139: {  	_ =	swait.ge @!p0 [sflag:s10], $0xA000  }
0x13a: {  	s12 =	simm.s32 @!p0 $0x80;
	s9 =	sshra.s32 @!p0 s0, $0x2;
	[sflag:s10] =	ssyncset.done @!p0 $0x0  }
0x13b: {  	s13 =	simm.s32 @!p0 $0x6400;
	s11 =	sadd.s32 @!p0 $0xA00, s9;
	[sflag:s10] =	ssyncadd.s32 @!p0 $0xFFFF6000  }
0x13c: {  	[tilespmem:s13], [sflag:$0x1] =	stream.indirect.gather @!p0 [hbm4b:s3+s12], $0x20, s11, s12, $0xb8;
	[tilespmem:$0x1A400] =	vst v63  }
0x13d: {  	s10 =	sadd.s32 @!p0 $0xA80, s9;
	s11 =	simm.s32 @!p0 $0x7400  }
0x13e: {  	[tilespmem:s11], [sflag:$0x1] =	stream.indirect.gather @!p0 [hbm4b:s3+s12], $0x20, s10, s12, $0xb8;
	[tilespmem:$0x1A400] =	vst v63  }
0x13f: {  	s10 =	sadd.s32 @!p0 $0xB00, s9;
	s11 =	simm.s32 @!p0 $0x8400  }
0x140: {  	[tilespmem:s11], [sflag:$0x1] =	stream.indirect.gather @!p0 [hbm4b:s3+s12], $0x20, s10, s12, $0xb8;
	[tilespmem:$0x1A400] =	vst v63  }
0x141: {  	s10 =	sadd.s32 @!p0 $0xB80, s9;
	s11 =	simm.s32 @!p0 $0x9400  }
0x142: {  	[tilespmem:s11], [sflag:$0x1] =	stream.indirect.gather @!p0 [hbm4b:s3+s12], $0x20, s10, s12, $0xb8;
	[tilespmem:$0x1A400] =	vst v63  }
0x143: {  	s10 =	sadd.s32 @!p0 $0xC00, s9;
	s11 =	simm.s32 @!p0 $0xA400  }
0x144: {  	[tilespmem:s11], [sflag:$0x1] =	stream.indirect.gather @!p0 [hbm4b:s3+s12], $0x20, s10, s12, $0xb8;
	[tilespmem:$0x1A400] =	vst v63  }
0x145: {  	s10 =	sadd.s32 @!p0 $0xC80, s9;
	s11 =	simm.s32 @!p0 $0xB400  }
0x146: {  	[tilespmem:s11], [sflag:$0x1] =	stream.indirect.gather @!p0 [hbm4b:s3+s12], $0x20, s10, s12, $0xb8;
	[tilespmem:$0x1A400] =	vst v63  }
0x147: {  	s10 =	sadd.s32 @!p0 $0xD00, s9;
	s11 =	simm.s32 @!p0 $0xC400  }
0x148: {  	[tilespmem:s11], [sflag:$0x1] =	stream.indirect.gather @!p0 [hbm4b:s3+s12], $0x20, s10, s12, $0xb8;
	[tilespmem:$0x1A400] =	vst v63  }
0x149: {  	s10 =	sadd.s32 @!p0 $0xD80, s9;
	s11 =	simm.s32 @!p0 $0xD400  }
0x14a: {  	[tilespmem:s11], [sflag:$0x1] =	stream.indirect.gather @!p0 [hbm4b:s3+s12], $0x20, s10, s12, $0xb8;
	[tilespmem:$0x1A400] =	vst v63  }
0x14b: {  	s10 =	sadd.s32 @!p0 $0xE00, s9;
	s11 =	simm.s32 @!p0 $0xE400  }
0x14c: {  	[tilespmem:s11], [sflag:$0x1] =	stream.indirect.gather @!p0 [hbm4b:s3+s12], $0x20, s10, s12, $0xb8;
	[tilespmem:$0x1A400] =	vst v63  }
0x14d: {  	s9 =	sadd.s32 @!p0 $0xE80, s9;
	s10 =	simm.s32 @!p0 $0xF400  }
0x14e: {  	[tilespmem:s10], [sflag:$0x1] =	stream.indirect.gather @!p0 [hbm4b:s3+s12], $0x20, s9, s12, $0xb8;
	[tilespmem:$0x1A400] =	vst v63  }
0x14f: {  	_ =	swait.ge [sflag:s29], $0x1000  }
0x150: {  	[sflag:s29] =	ssyncset.done $0x0  }
0x151: {  	[sflag:s29] =	ssyncadd.s32 $0xFFFFF000  }
0x152: {  	_ =	swait.ge [sflag:s29], $0x1000  }
0x153: {  	[sflag:s29] =	ssyncset.done $0x0  }
0x154: {  	[sflag:s29] =	ssyncadd.s32 $0xFFFFF000  }
0x155: {  	_ =	swait.ge [sflag:s29], $0x1000  }
0x156: {  	[sflag:s29] =	ssyncset.done $0x0  }
0x157: {  	[sflag:s29] =	ssyncadd.s32 $0xFFFFF000  }
0x158: {  	_ =	swait.ge [sflag:s29], $0x1000  }
0x159: {  	[sflag:s29] =	ssyncset.done $0x0  }
0x15a: {  	[sflag:s29] =	ssyncadd.s32 $0xFFFFF000  }
0x15b: {  	_ =	swait.ge [sflag:s29], $0x1000  }
0x15c: {  	[sflag:s29] =	ssyncset.done $0x0  }
0x15d: {  	[sflag:s29] =	ssyncadd.s32 $0xFFFFF000  }
0x15e: {  	_ =	swait.ge [sflag:s29], $0x1000  }
0x15f: {  	[sflag:s29] =	ssyncset.done $0x0  }
0x160: {  	[sflag:s29] =	ssyncadd.s32 $0xFFFFF000  }
0x161: {  	_ =	swait.ge [sflag:s29], $0x1000  }
0x162: {  	[sflag:s29] =	ssyncset.done $0x0  }
0x163: {  	[sflag:s29] =	ssyncadd.s32 $0xFFFFF000  }
0x164: {  	_ =	swait.ge [sflag:s29], $0x1000  }
0x165: {  	[sflag:s29] =	ssyncset.done $0x0  }
0x166: {  	[sflag:s29] =	ssyncadd.s32 $0xFFFFF000  }
0x167: {  	_ =	swait.ge [sflag:s29], $0x1000  }
0x168: {  	[sflag:s29] =	ssyncset.done $0x0  }
0x169: {  	[sflag:s29] =	ssyncadd.s32 $0xFFFFF000  }
0x16a: {  	_ =	swait.ge [sflag:s29], $0x1000  }
0x16b: {  	s19 =	rddreg [dreg:$0x4];
	[sflag:s29] =	ssyncset.done $0x0  }
0x16c: {  	s1 =	sadd.s32 $0x1, s1;
	[sflag:s29] =	ssyncadd.s32 $0xFFFFF000;
	s20 =	sadd.s32 s0, s19  }
0x16d: {  	[hbm4b:s20+s2] =	stream.linear.scatter [tilespmem:s26], [sflag:$0x4], $0xA000, $0x38;
	[tilespmem:$0x1A400] =	vst v63  }
0x16e: {  	p0 =	sne.s32 s1, s5;
	_ =	swait.ge [sflag:s30], $0xA000  }
.Ltmp1:
0x16f: {  	[sflag:s30] =	ssyncset.done $0x0;
	(pc) =	sbr.rel @p0 .LBB2_1-.Ltmp1, $4  }
0x170: {  	[sflag:s30] =	ssyncadd.s32 $0xFFFF6000  }
0x171: {  	_ =	swait.ge [sflag:s31], $0xA000  }
0x172: {  	[sflag:s31] =	ssyncset.done $0x0  }
0x173: {  	[sflag:s31] =	ssyncadd.s32 $0xFFFF6000  }
0x174: {  	_ =	sfence.sel $0x180000  }
0x175: {  	[bflag:$0x0] =	sbarrier.arrive $0xFFFF  }
0x176: {  	_ =	strace $0x90000047  }
0x177: {  	s0 =	stileid.u32;
	[bflag:$0x2] =	sbarrier.arrive $0xFFFF  }
0x178: {  	p0 =	sne.s32 s0, $0x0;
	s0 =	rddreg [dreg:$0x2]  }
0x179: {  	s0 =	sadd.s32 @!p0 $0x100000, s0  }
0x17a: {  	[sflag:s0] =	ssyncadd.tile.s32 @!p0 $0x1;
	_ =	shalt  }
.Lfunc_end2:
_tile_overlayer_lowered:
.L_overlay_start_2:
0x17b: {  	(tag) =	ssettag $0x2  }
0x17c: {  	s0 =	rddreg [dreg:$0x0];
	s2 =	stileid.u32  }
0x17d: {  	s1 =	rddreg [dreg:$0x1];
	p0 =	sne.s32 s2, $0x0  }
0x17e: {  	s3 =	rddreg [dreg:$0x2];
	[bflag:$0x3] =	sbarrier.arrive $0xFFFF;
	s2 =	simm.s32 @!p0 $0x1C05  }
0x17f: {  	[timem:s3], [sflag:s2] =	dma.local @!p0 [hbm:s0], s1  }
0x180: {  	s0 =	simm.s32 @!p0 $0x5  }
0x181: {  	_ =	swait.ge @!p0 [sflag:s0], s1  }
0x182: {  	s1 =	ssub.s32 @!p0 $0x0, s1;
	[sflag:s0] =	ssyncset.done @!p0 $0x0  }
0x183: {  	[sflag:s0] =	ssyncadd.s32 @!p0 s1  }
0x184: {  	[bflag:$0x3] =	sbarrier.arrive $0xFFFF  }
0x185: {  	_ =	shalt  }

// kernel: sparse-core-data-format-call.cloned.1.call-start
scs
called_computation_lowered:
.L_overlay_start_0:
0x0: {  	s2 =	sld [smem:$0x3FD9]  }
0x1: {  	s3 =	sld [smem:$0x3FFE];
	_ =	sdelay $0x1  }
0x2: {  	s1 =	srdreg.scid  }
0x3: {  	s0 =	sand.u32 $0x1, s1  }
0x4: {  	s18 =	sshll.u32 s0, $0xA;
	s2 =	sadd.s32 s3, s2  }
0x5: {  	s2 =	sadd.s32 s2, s18  }
0x6: {  	[smem:$0x3FC6] =	sst s2  }
0x7: {  	_ = 	snop  }
0x8: {  	s2 =	sld [smem:$0x3FD0];
	(tm) =	ssettm $0x1  }
0x9: {  	s19 =	sld [smem:$0x3FFB];
	_ =	sdelay $0x3  }
0xa: {  	_ =	strace s19  }
0xb: {  	s3 =	sld [smem:$0x3FFC];
	_ =	sdelay $0x3  }
0xc: {  	_ =	strace s3  }
0xd: {  	s3 =	sld [smem:$0x3FFD];
	_ =	sdelay $0x3  }
0xe: {  	_ =	strace s3  }
0xf: {  	_ =	strace $0x8FFFFFFF  }
0x10: {  	s20 =	sld [smem:$0x3FDB];
	_ =	sdelay $0x1  }
0x11: {  	s4 =	simm.s32 $_scs_section_size  }
0x12: {  	s5 =	simm.s32 $_size__tile_overlayer_lowered;
	s6 =	simm.s32 $_tile_overlayer_lowered  }
0x13: {  	s23 =	simm.s32 $0x1BFF;
	s22 =	sshll.u32 s6, $0x1;
	s3 =	sadd.s32 s4, s20  }
0x14: {  	s7 =	simm.s32 $0x0;
	s21 =	sshll.u32 s5, $0x1;
	s5 =	sadd.s32 s22, s3  }
0x15: {  	[timem:s7], [sflag:s23] =	dma.local [hbm:s5], s21  }
0x16: {  	_ =	swait.ge [sflag:s23], s21  }
0x17: {  	s4 =	ssub.s32 $0x0, s21;
	[sflag:s23] =	ssyncset.done $0x0  }
0x18: {  	[sflag:s23] =	ssyncadd.s32 s4;
	_ =	sdelay $0x1  }
0x19: {  	s24 =	simm.s32 $0x1B8B  }
0x1a: {  	_ =	swait.ge [sflag:s24], $0x1  }
0x1b: {  	[sflag:s24] =	ssyncset.done $0x0  }
0x1c: {  	s26 =	simm.s32 $0x1B8E;
	s25 =	sld [smem:$0x3FFE];
	[sflag:s24] =	ssyncadd.s32 $0xFFFFFFFF  }
0x1d: {  	s27 =	simm.s32 $execute0_lowered;
	[smem:$0x3FD2] =	sst s26  }
0x1e: {  	s5 =	sshll.u32 s27, $0x1;
	_ =	strace $0x80000049;
	[dreg:$0x1] =	wrdreg $0xFFFFFFFF  }
0x1f: {  	s28 =	simm.s32 $_size_execute0_lowered;
	s3 =	sadd.s32 s3, s5;
	[dreg:$0x0] =	wrdreg $0x0  }
0x20: {  	s5 =	sshll.u32 s28, $0x1;
	[dreg:$0x2] =	wrdreg s3  }
0x21: {  	[dreg:$0x3] =	wrdreg s5  }
0x22: {  	[dreg:$0x4] =	wrdreg $0xC0  }
0x23: {  	_ =	task [dreg:s7], $0x5FFFF  }
0x24: {  	[dreg:$0x1] =	wrdreg $0xFFFFFFFF  }
0x25: {  	[dreg:$0x0] =	wrdreg $0x60  }
0x26: {  	[dreg:$0x2] =	wrdreg s25  }
0x27: {  	[dreg:$0x3] =	wrdreg s2  }
0x28: {  	[dreg:$0x4] =	wrdreg $0x9  }
0x29: {  	_ =	task.clear_ibuf [dreg:s7], $0x5FFFF;
	_ =	strace $0x90000049  }
0x2a: {  	s29 =	simm.s32 $0x9;
	_ =	strace $0x8000004B  }
0x2b: {  	_ =	swait.ge [sflag:s29], $0x1  }
0x2c: {  	[sflag:s29] =	ssyncadd.s32 $0xFFFFFFFF  }
0x2d: {  	_ =	strace $0x9000004B  }
0x2e: {  	_ =	sfence  }
0x2f: {  	s30 =	sld [smem:$0x0];
	_ =	sdelay $0x2  }
0x30: {  	s31 =	sshll.u32 s1, $0xD;
	s1 =	sshrl.u32 s1, $0x2  }
0x31: {  	s3 =	sand.u32 $0x4000, s31;
	s1 =	sadd.s32 s1, s30  }
0x32: {  	s0 =	sor.u32 s3, s0;
	s1 =	sshll.u32 s1, $0x11  }
0x33: {  	s0 =	sor.u32 s1, s0  }
0x34: {  	s0 =	sadd.s32 $0x8F2B, s0  }
0x35: {  	[sflag:s0] =	ssyncadd.remote.s32 $0x1  }
0x36: {  	_ =	sfence.sel $0xFFFF  }
0x37: {  	[dreg:$0x0] =	wrdreg $0xFFFFFFFF;
	(pc) =	sbr.abs _section_cstart, $3  }
0x38: {  	[dreg:$0x1] =	wrdreg $0xFFFFFFFF  }
0x39: {  	_ =	task.clear_ibuf [dreg:s7], $0x2FFFF;
	_ =	strace $0x9FFFFFFF  }
0x3a: {  	(tm) =	ssettm $0x7FFFFFFF  }
0x3b: {  	_ =	shalt  }
tec
execute0_lowered:
.L_overlay_start_1:
0x0: {  	(tag) =	ssettag $0x1  }
0x1: {  	s0 =	srdreg.scid  }
0x2: {  	s1 =	sshll.u32 s0, $0x4  }
0x3: {  	s0 =	stileid.u32;
	s1 =	sand.u32 $0x10, s1  }
0x4: {  	s7 =	rddreg [dreg:$0x0];
	s1 =	sor.u32 s0, s1  }
0x5: {  	s4 =	simm.s32 $0x1;
	s8 =	simm.s32 $0x2;
	s2 =	sshll.u32 s1, $0x7  }
0x6: {  	s13 =	simm.s32 $0x0;
	s9 =	simm.s32 $0x20000;
	s1 =	ssub.s32 $0x4000, s2  }
0x7: {  	s14 =	simm.s32 $0x0;
	s11 =	simm.s32 $0x0;
	s3 =	sand.u32 $0xF80, s1  }
0x8: {  	s12 =	simm.s32 $0x0;
	s5 =	sshrl.u32 s1, $0xC;
	p0 =	sne.s32 s3, $0x0  }
.Ltmp0:
0x9: {  	s1 =	rddreg [dreg:$0x2];
	s4 =	simm.s32 @!p0 $0x0;
	(pc) =	sbr.rel .LBB1_1-.Ltmp0, $4  }
0xa: {  	s6 =	sadd.s32 $0xA00, s7;
	s3 =	rddreg [dreg:$0x1];
	s5 =	sadd.s32 s4, s5  }
0xb: {  	_ =	strace $0x8000004A;
	s4 =	simm.s32 $0x1;
	s5 =	smul.u32 $0x19, s5  }
0xc: {  	s7 =	sadd.s32 $0x40A00, s7;
	s10 =	smov.u32 s2;
	[sflag:s4] =	ssyncpa.u1 $0x0  }
0xd: {  	p0 =	por $0x0, $0x0;
	[sflag:s8] =	ssyncpa.u1 $0x0;
	s8 =	sadd.s32 $0x1, s5  }
.LBB1_7:
0xe: {  	s15 =	sadd.s32 $0x1000, s10  }
0xf: {  	s13 =	sadd.s32 $0x2, s11;
	s17 =	smov.u32 s11;
	p2 =	sgt.s32 s15, $0x3FFF  }
0x10: {  	s17 =	smov.u32 @p2 s13  }
0x11: {  	s15 =	smov.u32 @p2 s2;
	p2 =	sgt.s32 s17, $0x31  }
0x12: {  	s17 =	simm.s32 @p2 $0x0;
	p2 =	sne.s32 s12, s8  }
.Ltmp1:
0x13: {  	p1 =	slt.u32 s12, $0x2;
	(pc) =	sbr.rel @!p2 .LBB1_8-.Ltmp1, $4  }
0x14: {  	s16 =	simm.s32 @!p1 $0x2  }
0x15: {  	s14 =	smov.u32 s11;
	p0 =	por !p0, !p0;
	_ =	swait.ge @!p1 [sflag:s16], $0x2000  }
0x16: {  	s13 =	smov.u32 s10;
	[sflag:s16] =	ssyncset.done @!p1 $0x0;
	s10 =	smov.u32 s15  }
0x17: {  	s12 =	sadd.s32 $0x1, s12;
	[sflag:s16] =	ssyncadd.s32 @!p1 $0xFFFFE000;
	s11 =	smov.u32 s17  }
.LBB1_1:
0x18: {  	p1 =	sge.u32 s12, s5  }
0x19: {  	s15 =	sxor.u32 @!p1 $0xFFFFFFFF, s12;
	s16 =	sshll.u32 @!p1 s11, $0x12  }
0x1a: {  	s17 =	sshll.u32 @!p1 s10, $0x4;
	s19 =	simm.s32 @!p1 $0x20;
	s20 =	simm.s32 @!p1 $0x80  }
0x1b: {  	s15 =	sshll.u32 @!p1 s15, $0xD;
	s17 =	sand.u32 @!p1 $0x3FFF0, s17;
	s18 =	sadd.s32 @!p1 s6, s16  }
0x1c: {  	s16 =	sadd.s32 @!p1 s16, s7;
	s15 =	sand.u32 @!p1 $0x2000, s15;
	s18 =	sadd.s32 @!p1 s17, s18  }
0x1d: {  	[tilespmem:s15], [sflag:$0x1] =	stream.strided.gather @!p1 [hbm4b:s18+s19], $0x1000, s20, s19, $0x38;
	[tilespmem:$0x8080] =	vst v63  }
0x1e: {  	s31 =	sadd.s32 $0xFFFFFFFF, s12;
	s16 =	sadd.s32 @!p1 s17, s16;
	s15 =	sor.u32 @!p1 $0x1000, s15  }
0x1f: {  	[tilespmem:s15], [sflag:$0x1] =	stream.strided.gather @!p1 [hbm4b:s16+s19], $0x1000, s20, s19, $0x38;
	[tilespmem:$0x8080] =	vst v63  }
0x20: {  	p1 =	sge.u32 s31, s5  }
.Ltmp2:
0x21: {  	_ = 	snop;
	(pc) =	sbr.rel @p1 .LBB1_7-.Ltmp2, $1  }
0x22: {  	_ =	sdelay $0x3  }
0x23: {  	s15 =	simm.s32 $0x1;
	s17 =	sand.u32 $0x1, s12  }
0x24: {  	_ =	swait.ge [sflag:s4], $0x2000;
	s15 =	simm.s32 @!p0 $0x0;
	s17 =	smul.u32 $0x8100, s17  }
0x25: {  	p2 =	por $0x1, $0x1;
	[sflag:s4] =	ssyncset.done $0x0;
	s16 =	smul.u32 $0x8100, s15  }
0x26: {  	s18 =	sshll.u32 s15, $0xF;
	[sflag:s4] =	ssyncadd.s32 $0xFFFFE000;
	s30 =	sshrl.u32 s17, $0x2  }
0x27: {  	s31 =	sshrl.u32 s18, $0x2;
	s18 =	simm.s32 $0x0;
	s16 =	sshrl.u32 s16, $0x2  }
0x28: {  	s15 =	sor.u32 $0x4000, s30;
	s17 =	sadd.s32 $0x10, s31;
	s16 =	sor.u32 $0x4000, s16  }
.LBB1_3:
0x29: {  	s19 =	sshll.u32 s18, $0xC  }
0x2a: {  	s19 =	sand.u32 $0x3FFFF000, s19  }
0x2b: {  	s20 =	sadd.s32 s19, s17  }
0x2c: {  	s31 =	smul.u32 $0x4080, s18;
	v1 =	vld [tilespmem:s20+$0x0]  }
0x2d: {  	v0 =	vld [tilespmem:s20+$0xFFFFFFF0]  }
0x2e: {  	s18 =	sshra.s32 s31, $0x2  }
0x2f: {  	s18 =	sadd.s32 s18, s16  }
0x30: {  	s21 =	sadd.s32 $0x0, s18  }
0x31: {  	p1 =	por p2, p2;
	s19 =	simm.s32 $0x4;
	s20 =	sadd.s32 $0x20, s20;
	[tilespmem:s21+$0x810 ss:$0x81] =	vst.msk $0xffff, v1  }
.LBB1_4:
0x32: {  	v1 =	vld [tilespmem:s20+$0x0];
	p2 =	sne.s32 s19, $0x1FC;
	[tilespmem:s21+$0x0 ss:$0x81] =	vst.msk $0xffff, v0;
	s21 =	smov.u32 s19;
	s19 =	sadd.s32 $0x4, s19  }
.Ltmp3:
0x33: {  	v0 =	vld [tilespmem:s20+$0xFFFFFFF0];
	(pc) =	sbr.rel @p2 .LBB1_4-.Ltmp3, $4  }
0x34: {  	_ = 	snop  }
0x35: {  	s21 =	sshra.s32 s21, $0x2  }
0x36: {  	s21 =	sadd.s32 s21, s18  }
0x37: {  	s20 =	sadd.s32 $0x20, s20;
	[tilespmem:s21+$0x810 ss:$0x81] =	vst.msk $0xffff, v1  }
.Ltmp4:
0x38: {  	(pc) =	sbr.rel @p1 .LBB1_3-.Ltmp4, $2  }
0x39: {  	_ =	sdelay $0x2  }
0x3a: {  	[tilespmem:s21+$0x0 ss:$0x81] =	vst.msk $0xffff, v0;
	s18 =	simm.s32 $0x1;
	p2 =	por $0x0, $0x0  }
0x3b: {  	s16 =	sshll.u32 s13, $0x3;
	s17 =	sand.u32 $0x78, s13;
	s14 =	sshll.u32 s14, $0x10  }
.Ltmp5:
0x3c: {  	s30 =	sand.u32 $0xF800, s13;
	s16 =	sand.u32 $0x3C00, s16;
	(pc) =	sbr.rel .LBB1_7-.Ltmp5, $4  }
0x3d: {  	s31 =	sand.u32 $0x7, s13;
	s14 =	sadd.s32 s3, s14;
	s16 =	sor.u32 s17, s16  }
0x3e: {  	s13 =	sshll.u32 s31, $0x12;
	s14 =	sadd.s32 s30, s14;
	s16 =	sshrl.u32 s16, $0x3  }
0x3f: {  	s13 =	sor.u32 $0x400, s13;
	s14 =	sadd.s32 s16, s14  }
0x40: {  	[hbm4b:s14+s13] =	stream.strided.scatter [tilespmem:s15], [sflag:$0x2], $0x2000, s9, s13, $0x20;
	[tilespmem:$0x8080] =	vst v63  }
.LBB1_8:
0x41: {  	_ =	sfence.sel $0x180000  }
0x42: {  	s2 =	simm.s32 $0x1;
	[bflag:$0x0] =	sbarrier.arrive $0xFFFF  }
0x43: {  	s31 =	simm.s32 $0x2;
	[sflag:s2] =	ssyncpa.u1 $0x1  }
0x44: {  	[sflag:s31] =	ssyncpa.u1 $0x1  }
0x45: {  	p0 =	sne.s32 s0, $0x0;
	_ =	strace $0x9000004A  }
0x46: {  	s0 =	sadd.s32 @!p0 $0x100000, s1;
	[bflag:$0x2] =	sbarrier.arrive $0xFFFF  }
0x47: {  	[sflag:s0] =	ssyncadd.tile.s32 @!p0 $0x1;
	_ =	shalt  }
.Lfunc_end1:
_tile_overlayer_lowered:
.L_overlay_start_2:
0x48: {  	(tag) =	ssettag $0x2  }
0x49: {  	s0 =	rddreg [dreg:$0x0];
	s2 =	stileid.u32  }
0x4a: {  	s1 =	rddreg [dreg:$0x1];
	p0 =	sne.s32 s2, $0x0  }
0x4b: {  	s3 =	rddreg [dreg:$0x2];
	[bflag:$0x3] =	sbarrier.arrive $0xFFFF;
	s2 =	simm.s32 @!p0 $0x1C01  }
0x4c: {  	[timem:s3], [sflag:s2] =	dma.local @!p0 [hbm:s0], s1  }
0x4d: {  	s0 =	simm.s32 @!p0 $0x1  }
0x4e: {  	_ =	swait.ge @!p0 [sflag:s0], s1  }
0x4f: {  	s1 =	ssub.s32 @!p0 $0x0, s1;
	[sflag:s0] =	ssyncset.done @!p0 $0x0  }
0x50: {  	[sflag:s0] =	ssyncadd.s32 @!p0 s1  }
0x51: {  	[bflag:$0x3] =	sbarrier.arrive $0xFFFF  }
0x52: {  	_ =	shalt  }

</sc_bundles>
